<compile_context>
chip_gen: v7x
topology: tpu7x:2x2x1
jax: 0.10.2.dev20260603
libtpu: 0.0.44.dev20260713+nightly
codegen_flags: <defaults>
</compile_context>

<pallas_src>
import functools

import jax
import jax.numpy as jnp
from jax import lax
from jax.experimental import pallas as pl
from jax.experimental.pallas import tpu as pltpu
from jax.experimental.pallas import tpu_sc as plsc

N_NODES = 10000
N_EDGES = 320000
D_FEAT = 128
D_HIDDEN = 256

NC = 2
NS = 16
NW = NC * NS
CHUNK = 128
N_CHUNKS = N_EDGES // CHUNK
N_PAD = 10240
ROWS_PER_TILE = N_PAD // NS
ZROWS = 128


def _sc_body(feat_hbm, edges_hbm, acc_out, deg_out,
             ebuf, dst_idx, rows, zbuf, deg_local, acc_shared, sem):
  c = lax.axis_index("c")
  s = lax.axis_index("s")
  wid = s * NC + c

  zeros16 = jnp.zeros((16,), jnp.float32)

  def zero_deg(j, _):
    deg_local[pl.ds(j * 16, 16)] = zeros16
    return 0

  lax.fori_loop(0, N_NODES // 16, zero_deg, 0)

  def zero_zbuf(j, _):
    for k in range(D_FEAT // 16):
      zbuf[j, pl.ds(k * 16, 16)] = zeros16
    return 0

  lax.fori_loop(0, ZROWS, zero_zbuf, 0)

  row0 = s * ROWS_PER_TILE
  zds = [
      pltpu.async_copy(zbuf, acc_shared.at[pl.ds(row0 + k * ZROWS, ZROWS)], sem)
      for k in range(ROWS_PER_TILE // ZROWS)
  ]
  for zd in zds:
    zd.wait()
  plsc.subcore_barrier()

  ones16 = jnp.ones((16,), jnp.float32)
  n_my_chunks = (N_CHUNKS - 1 - wid) // NW + 1

  def edge_step(i, _):
    base = (wid + i * NW) * (2 * CHUNK)
    pltpu.sync_copy(edges_hbm.at[pl.ds(base, 2 * CHUNK)], ebuf)
    d = pltpu.async_copy(feat_hbm.at[ebuf.at[pl.ds(0, CHUNK)]], rows, sem)
    for j in range(CHUNK // 16):
      d16 = ebuf[pl.ds(CHUNK + j * 16, 16)]
      dst_idx[pl.ds(j * 16, 16)] = d16
      plsc.addupdate_scatter(deg_local, [d16], ones16)
    d.wait()
    pltpu.sync_copy(rows, acc_shared.at[dst_idx], add=True)
    return 0

  lax.fori_loop(0, n_my_chunks, edge_step, 0)
  plsc.subcore_barrier()

  wds = [pltpu.async_copy(deg_local, deg_out.at[wid, 0], sem)]
  for k in range(ROWS_PER_TILE // ZROWS):
    r = row0 + k * ZROWS
    wds.append(pltpu.async_copy(acc_shared.at[pl.ds(r, ZROWS)],
                                acc_out.at[c, pl.ds(r, ZROWS)], sem))
  for wd in wds:
    wd.wait()


@jax.jit
def _sc_aggregate(features, edges):
  mesh = plsc.VectorSubcoreMesh(core_axis_name="c", subcore_axis_name="s")
  return pl.kernel(
      _sc_body,
      out_type=[
          jax.ShapeDtypeStruct((NC, N_PAD, D_FEAT), jnp.float32),
          jax.ShapeDtypeStruct((NW, 1, N_NODES), jnp.float32),
      ],
      mesh=mesh,
      compiler_params=pltpu.CompilerParams(needs_layout_passes=False),
      scratch_types=[
          pltpu.VMEM((2 * CHUNK,), jnp.int32),
          pltpu.VMEM((CHUNK,), jnp.int32),
          pltpu.VMEM((CHUNK, D_FEAT), jnp.float32),
          pltpu.VMEM((ZROWS, D_FEAT), jnp.float32),
          pltpu.VMEM((N_NODES,), jnp.float32),
          pltpu.VMEM_SHARED((N_PAD, D_FEAT), jnp.float32),
          pltpu.SemaphoreType.DMA,
      ],
  )(features, edges)


def _tc_head_body(acc_ref, deg_ref, wmp_ref, bmp_ref, w1_ref, b1_ref,
                  w2_ref, b2_ref, out_ref):
  acc = acc_ref[0] + acc_ref[1]
  deg = jnp.sum(deg_ref[0], axis=0)
  deg = jnp.maximum(deg, 1.0)
  h = acc / deg[:, None]
  h = jnp.maximum(jnp.dot(h, wmp_ref[...], preferred_element_type=jnp.float32)
                  + bmp_ref[...], 0.0)
  h = jnp.maximum(jnp.dot(h, w1_ref[...], preferred_element_type=jnp.float32)
                  + b1_ref[...], 0.0)
  out_ref[...] = (jnp.dot(h, w2_ref[...], preferred_element_type=jnp.float32)
                  + b2_ref[...])


@jax.jit
def _tc_head(acc2, deg32, W_mp, b_mp, W1, b1, W2, b2):
  R = 1000
  grid = (N_NODES // R,)
  f = pl.pallas_call(
      _tc_head_body,
      grid=grid,
      in_specs=[
          pl.BlockSpec((NC, R, D_FEAT), lambda i: (0, i, 0)),
          pl.BlockSpec((1, NW, R), lambda i: (i, 0, 0)),
          pl.BlockSpec((D_FEAT, D_FEAT), lambda i: (0, 0)),
          pl.BlockSpec((1, D_FEAT), lambda i: (0, 0)),
          pl.BlockSpec((D_FEAT, D_HIDDEN), lambda i: (0, 0)),
          pl.BlockSpec((1, D_HIDDEN), lambda i: (0, 0)),
          pl.BlockSpec((D_HIDDEN, D_FEAT), lambda i: (0, 0)),
          pl.BlockSpec((1, D_FEAT), lambda i: (0, 0)),
      ],
      out_specs=pl.BlockSpec((R, D_FEAT), lambda i: (i, 0)),
      out_shape=jax.ShapeDtypeStruct((N_NODES, D_FEAT), jnp.float32),
  )
  deg_t = deg32.reshape(NW, N_NODES // R, R).transpose(1, 0, 2)
  return f(acc2, deg_t, W_mp, b_mp, W1, b1, W2, b2)


@jax.jit
def _full(features, edge_index, W_mp, b_mp, W1, b1, W2, b2):
  src = edge_index[0].astype(jnp.int32)
  dst = edge_index[1].astype(jnp.int32)
  edges = jnp.stack([src.reshape(N_CHUNKS, CHUNK),
                     dst.reshape(N_CHUNKS, CHUNK)], axis=1).reshape(-1)
  acc2, deg32 = _sc_aggregate(features, edges)
  deg32 = deg32.reshape(NW, N_NODES)
  return _tc_head(acc2, deg32, W_mp, b_mp.reshape(1, -1),
                  W1, b1.reshape(1, -1), W2, b2.reshape(1, -1))


def kernel(features, edge_index, W_mp, b_mp, W1, b1, W2, b2):
  return _full(features, edge_index, W_mp, b_mp, W1, b1, W2, b2)

# --- scband reference (transcript-rebuilt; emitter-appended) ---
"""Pipeline reference for scband-mol-gdl-25254407700943 (READ-ONLY COPY).

The authoritative reference and input builder live on the scoring server;
editing this copy changes nothing except your own understanding.
"""

import jax, jax.numpy as jnp
import numpy as np

N_NODES = 10000
N_EDGES = 320000
D_FEAT = 128
D_HIDDEN = 256


def setup_inputs(seed: int = 0) -> dict:
    key = jax.random.key(seed)
    k_feat, k_edge, k_wmp, k_bmp, k_w1, k_b1, k_w2, k_b2 = jax.random.split(key, 8)
    features = jax.random.normal(k_feat, (N_NODES, D_FEAT), dtype=jnp.float32)
    edge_index = jax.random.randint(k_edge, (2, N_EDGES), 0, N_NODES, dtype=jnp.int64)
    # Learned parameters: message-passing transform + 2-layer GNN head
    W_mp = jax.random.normal(k_wmp, (D_FEAT, D_FEAT), dtype=jnp.float32) * 0.05
    b_mp = jnp.zeros((D_FEAT,), dtype=jnp.float32)
    W1 = jax.random.normal(k_w1, (D_FEAT, D_HIDDEN), dtype=jnp.float32) * 0.05
    b1 = jnp.zeros((D_HIDDEN,), dtype=jnp.float32)
    W2 = jax.random.normal(k_w2, (D_HIDDEN, D_FEAT), dtype=jnp.float32) * 0.05
    b2 = jnp.zeros((D_FEAT,), dtype=jnp.float32)
    return {"features": features, "edge_index": edge_index, "W_mp": W_mp, "b_mp": b_mp, "W1": W1, "b1": b1, "W2": W2, "b2": b2}


def reference(features, edge_index, W_mp, b_mp, W1, b1, W2, b2):
    # message_passing.forward: gather neighbor features, mean-aggregate by dst node,
    # then learned linear transform + ReLU (adjacency-normalized propagation A_hat @ X @ W)
    src = edge_index[0]
    dst = edge_index[1]
    msgs = jnp.take(features, src, axis=0)                        # gather [E, d]
    agg = jax.ops.segment_sum(msgs, dst, num_segments=N_NODES)    # scatter-add [N, d]
    deg = jax.ops.segment_sum(jnp.ones((msgs.shape[0],), dtype=features.dtype), dst, num_segments=N_NODES)
    deg = jnp.clip(deg, 1.0, None)
    h = agg / deg[:, None]
    h = jax.nn.relu(h @ W_mp + b_mp)
    # GNN.forward: 2-layer MLP head over node features
    h = jax.nn.relu(h @ W1 + b1)
    out = h @ W2 + b2
    return out

if __name__ == "__main__":
    import jax
    _d = setup_inputs()
    print(jax.jit(kernel)(*tuple(_d.values())))

</pallas_src>

<mosaic_0001>
#map = affine_map<(d0, d1) -> (0, 0)>
#map1 = affine_map<(d0, d1) -> (0)>
#map2 = affine_map<(d0, d1) -> (0, 0, 0)>
module attributes {stable_mosaic.version = 14 : i64} {
  func.func @_sc_body(%arg0: i32, %arg1: i32, %arg2: memref<10000x128xf32, #tpu.memory_space<hbm>>, %arg3: memref<640000xi32, #tpu.memory_space<hbm>>, %arg4: memref<2x10240x128xf32, #tpu.memory_space<hbm>>, %arg5: memref<32x1x10000xf32, #tpu.memory_space<hbm>>, %arg6: memref<256xi32, #tpu.memory_space<vmem>>, %arg7: memref<128xi32, #tpu.memory_space<vmem>>, %arg8: memref<128x128xf32, #tpu.memory_space<vmem>>, %arg9: memref<128x128xf32, #tpu.memory_space<vmem>>, %arg10: memref<10000xf32, #tpu.memory_space<vmem>>, %arg11: memref<10240x128xf32, #tpu.memory_space<vmem_shared>>, %arg12: memref<!tpu.dma_semaphore, #tpu.memory_space<semaphore_mem>>) attributes {dimension_semantics = [#tpu.dimension_semantics<core_parallel>, #tpu.dimension_semantics<subcore_parallel>], iteration_bounds = array<i64: 2, 16>, scalar_prefetch = 0 : i64, scratch_operands = 7 : i64, tpu.core_type = #tpu.core_type<sc_vector_subcore>, window_params = [{transform_indices = #map}, {transform_indices = #map1}, {transform_indices = #map2}, {transform_indices = #map2}]} {
    %mul3A = arith.constant 2 : i32
    %mul3A_0 = arith.muli %arg1, %mul3A : i32
    %add3A = arith.addi %mul3A_0, %arg0 : i32
    %broadcast_in_dim3A = arith.constant 0.000000e+00 : f32
    %broadcast_in_dim3A_1 = vector.broadcast %broadcast_in_dim3A : f32 to vector<16xf32>
    %scan3A = arith.constant 0 : i32
    %scan3A_2 = arith.constant 0 : i32
    %scan3A_3 = arith.constant 625 : i32
    %scan3A_4 = arith.addi %scan3A_2, %scan3A_3 : i32
    %scan3A_5 = arith.constant 1 : i32
    %scan3A_6 = scf.for %scan3A_173 = %scan3A_2 to %scan3A_4 step %scan3A_5 iter_args(%scan3A_174 = %scan3A) -> (i32)  : i32 {
      %mul3A_175 = arith.constant 16 : i32
      %mul3A_176 = arith.muli %scan3A_173, %mul3A_175 : i32
      %swap3A = arith.index_cast %mul3A_176 : i32 to index
      %swap3A_177 = tpu.vector_load %arg10[%swap3A] {strides = array<i32>} : memref<10000xf32, #tpu.memory_space<vmem>>, vector<16xf32>,
      tpu.vector_store %arg10[%swap3A], %broadcast_in_dim3A_1 {strides = array<i32>} : memref<10000xf32, #tpu.memory_space<vmem>>, vector<16xf32>,
      %scan3A_178 = arith.constant 0 : i32
      scf.yield %scan3A_178 : i32
    }
    %scan3A_7 = arith.constant 625 : i32
    %scan3A_8 = arith.constant 0 : i32
    %scan3A_9 = arith.constant 0 : i32
    %scan3A_10 = arith.constant 128 : i32
    %scan3A_11 = arith.addi %scan3A_9, %scan3A_10 : i32
    %scan3A_12 = arith.constant 1 : i32
    %scan3A_13 = scf.for %scan3A_173 = %scan3A_9 to %scan3A_11 step %scan3A_12 iter_args(%scan3A_174 = %scan3A_8) -> (i32)  : i32 {
      %swap3A = arith.index_cast %scan3A_173 : i32 to index
      %swap3A_175 = arith.constant 0 : index
      %swap3A_176 = tpu.vector_load %arg9[%swap3A, %swap3A_175] {strides = array<i32>} : memref<128x128xf32, #tpu.memory_space<vmem>>, vector<16xf32>,
      tpu.vector_store %arg9[%swap3A, %swap3A_175], %broadcast_in_dim3A_1 {strides = array<i32>} : memref<128x128xf32, #tpu.memory_space<vmem>>, vector<16xf32>,
      %swap3A_177 = arith.index_cast %scan3A_173 : i32 to index
      %swap3A_178 = arith.constant 16 : index
      %swap3A_179 = tpu.vector_load %arg9[%swap3A_177, %swap3A_178] {strides = array<i32>} : memref<128x128xf32, #tpu.memory_space<vmem>>, vector<16xf32>,
      tpu.vector_store %arg9[%swap3A_177, %swap3A_178], %broadcast_in_dim3A_1 {strides = array<i32>} : memref<128x128xf32, #tpu.memory_space<vmem>>, vector<16xf32>,
      %swap3A_180 = arith.index_cast %scan3A_173 : i32 to index
      %swap3A_181 = arith.constant 32 : index
      %swap3A_182 = tpu.vector_load %arg9[%swap3A_180, %swap3A_181] {strides = array<i32>} : memref<128x128xf32, #tpu.memory_space<vmem>>, vector<16xf32>,
      tpu.vector_store %arg9[%swap3A_180, %swap3A_181], %broadcast_in_dim3A_1 {strides = array<i32>} : memref<128x128xf32, #tpu.memory_space<vmem>>, vector<16xf32>,
      %swap3A_183 = arith.index_cast %scan3A_173 : i32 to index
      %swap3A_184 = arith.constant 48 : index
      %swap3A_185 = tpu.vector_load %arg9[%swap3A_183, %swap3A_184] {strides = array<i32>} : memref<128x128xf32, #tpu.memory_space<vmem>>, vector<16xf32>,
      tpu.vector_store %arg9[%swap3A_183, %swap3A_184], %broadcast_in_dim3A_1 {strides = array<i32>} : memref<128x128xf32, #tpu.memory_space<vmem>>, vector<16xf32>,
      %swap3A_186 = arith.index_cast %scan3A_173 : i32 to index
      %swap3A_187 = arith.constant 64 : index
      %swap3A_188 = tpu.vector_load %arg9[%swap3A_186, %swap3A_187] {strides = array<i32>} : memref<128x128xf32, #tpu.memory_space<vmem>>, vector<16xf32>,
      tpu.vector_store %arg9[%swap3A_186, %swap3A_187], %broadcast_in_dim3A_1 {strides = array<i32>} : memref<128x128xf32, #tpu.memory_space<vmem>>, vector<16xf32>,
      %swap3A_189 = arith.index_cast %scan3A_173 : i32 to index
      %swap3A_190 = arith.constant 80 : index
      %swap3A_191 = tpu.vector_load %arg9[%swap3A_189, %swap3A_190] {strides = array<i32>} : memref<128x128xf32, #tpu.memory_space<vmem>>, vector<16xf32>,
      tpu.vector_store %arg9[%swap3A_189, %swap3A_190], %broadcast_in_dim3A_1 {strides = array<i32>} : memref<128x128xf32, #tpu.memory_space<vmem>>, vector<16xf32>,
      %swap3A_192 = arith.index_cast %scan3A_173 : i32 to index
      %swap3A_193 = arith.constant 96 : index
      %swap3A_194 = tpu.vector_load %arg9[%swap3A_192, %swap3A_193] {strides = array<i32>} : memref<128x128xf32, #tpu.memory_space<vmem>>, vector<16xf32>,
      tpu.vector_store %arg9[%swap3A_192, %swap3A_193], %broadcast_in_dim3A_1 {strides = array<i32>} : memref<128x128xf32, #tpu.memory_space<vmem>>, vector<16xf32>,
      %swap3A_195 = arith.index_cast %scan3A_173 : i32 to index
      %swap3A_196 = arith.constant 112 : index
      %swap3A_197 = tpu.vector_load %arg9[%swap3A_195, %swap3A_196] {strides = array<i32>} : memref<128x128xf32, #tpu.memory_space<vmem>>, vector<16xf32>,
      tpu.vector_store %arg9[%swap3A_195, %swap3A_196], %broadcast_in_dim3A_1 {strides = array<i32>} : memref<128x128xf32, #tpu.memory_space<vmem>>, vector<16xf32>,
      %scan3A_198 = arith.constant 0 : i32
      scf.yield %scan3A_198 : i32
    }
    %scan3A_14 = arith.constant 128 : i32
    %mul3A_15 = arith.constant 640 : i32
    %mul3A_16 = arith.muli %arg1, %mul3A_15 : i32
    %add3A_17 = arith.constant 0 : i32
    %add3A_18 = arith.addi %mul3A_16, %add3A_17 : i32
    %dma_start3A = arith.constant 0 : i32
    %dma_start3A_19 = tpu.memref_slice %arg11[%add3A_18, %dma_start3A] : memref<10240x128xf32, #tpu.memory_space<vmem_shared>> -> memref<128x128xf32, #tpu.memory_space<vmem_shared>>
    %dma_start3A_20 = arith.constant 0 : i32
    %dma_start3A_21 = tpu.memref_slice %arg11[%add3A_18, %dma_start3A_20] : memref<10240x128xf32, #tpu.memory_space<vmem_shared>> -> memref<128x128xf32, #tpu.memory_space<vmem_shared>>
    tpu.enqueue_dma source(%arg9 : memref<128x128xf32, #tpu.memory_space<vmem>>) target(%dma_start3A_21 : memref<128x128xf32, #tpu.memory_space<vmem_shared>>) target_semaphore(%arg12 : memref<!tpu.dma_semaphore, #tpu.memory_space<semaphore_mem>>)
    %add3A_22 = arith.constant 128 : i32
    %add3A_23 = arith.addi %mul3A_16, %add3A_22 : i32
    %dma_start3A_24 = arith.constant 0 : i32
    %dma_start3A_25 = tpu.memref_slice %arg11[%add3A_23, %dma_start3A_24] : memref<10240x128xf32, #tpu.memory_space<vmem_shared>> -> memref<128x128xf32, #tpu.memory_space<vmem_shared>>
    %dma_start3A_26 = arith.constant 0 : i32
    %dma_start3A_27 = tpu.memref_slice %arg11[%add3A_23, %dma_start3A_26] : memref<10240x128xf32, #tpu.memory_space<vmem_shared>> -> memref<128x128xf32, #tpu.memory_space<vmem_shared>>
    tpu.enqueue_dma source(%arg9 : memref<128x128xf32, #tpu.memory_space<vmem>>) target(%dma_start3A_27 : memref<128x128xf32, #tpu.memory_space<vmem_shared>>) target_semaphore(%arg12 : memref<!tpu.dma_semaphore, #tpu.memory_space<semaphore_mem>>)
    %add3A_28 = arith.constant 256 : i32
    %add3A_29 = arith.addi %mul3A_16, %add3A_28 : i32
    %dma_start3A_30 = arith.constant 0 : i32
    %dma_start3A_31 = tpu.memref_slice %arg11[%add3A_29, %dma_start3A_30] : memref<10240x128xf32, #tpu.memory_space<vmem_shared>> -> memref<128x128xf32, #tpu.memory_space<vmem_shared>>
    %dma_start3A_32 = arith.constant 0 : i32
    %dma_start3A_33 = tpu.memref_slice %arg11[%add3A_29, %dma_start3A_32] : memref<10240x128xf32, #tpu.memory_space<vmem_shared>> -> memref<128x128xf32, #tpu.memory_space<vmem_shared>>
    tpu.enqueue_dma source(%arg9 : memref<128x128xf32, #tpu.memory_space<vmem>>) target(%dma_start3A_33 : memref<128x128xf32, #tpu.memory_space<vmem_shared>>) target_semaphore(%arg12 : memref<!tpu.dma_semaphore, #tpu.memory_space<semaphore_mem>>)
    %add3A_34 = arith.constant 384 : i32
    %add3A_35 = arith.addi %mul3A_16, %add3A_34 : i32
    %dma_start3A_36 = arith.constant 0 : i32
    %dma_start3A_37 = tpu.memref_slice %arg11[%add3A_35, %dma_start3A_36] : memref<10240x128xf32, #tpu.memory_space<vmem_shared>> -> memref<128x128xf32, #tpu.memory_space<vmem_shared>>
    %dma_start3A_38 = arith.constant 0 : i32
    %dma_start3A_39 = tpu.memref_slice %arg11[%add3A_35, %dma_start3A_38] : memref<10240x128xf32, #tpu.memory_space<vmem_shared>> -> memref<128x128xf32, #tpu.memory_space<vmem_shared>>
    tpu.enqueue_dma source(%arg9 : memref<128x128xf32, #tpu.memory_space<vmem>>) target(%dma_start3A_39 : memref<128x128xf32, #tpu.memory_space<vmem_shared>>) target_semaphore(%arg12 : memref<!tpu.dma_semaphore, #tpu.memory_space<semaphore_mem>>)
    %add3A_40 = arith.constant 512 : i32
    %add3A_41 = arith.addi %mul3A_16, %add3A_40 : i32
    %dma_start3A_42 = arith.constant 0 : i32
    %dma_start3A_43 = tpu.memref_slice %arg11[%add3A_41, %dma_start3A_42] : memref<10240x128xf32, #tpu.memory_space<vmem_shared>> -> memref<128x128xf32, #tpu.memory_space<vmem_shared>>
    %dma_start3A_44 = arith.constant 0 : i32
    %dma_start3A_45 = tpu.memref_slice %arg11[%add3A_41, %dma_start3A_44] : memref<10240x128xf32, #tpu.memory_space<vmem_shared>> -> memref<128x128xf32, #tpu.memory_space<vmem_shared>>
    tpu.enqueue_dma source(%arg9 : memref<128x128xf32, #tpu.memory_space<vmem>>) target(%dma_start3A_45 : memref<128x128xf32, #tpu.memory_space<vmem_shared>>) target_semaphore(%arg12 : memref<!tpu.dma_semaphore, #tpu.memory_space<semaphore_mem>>)
    %dma_wait3A = arith.constant 0 : i32
    %dma_wait3A_46 = tpu.memref_slice %arg11[%add3A_18, %dma_wait3A] : memref<10240x128xf32, #tpu.memory_space<vmem_shared>> -> memref<128x128xf32, #tpu.memory_space<vmem_shared>>
    %dma_wait3A_47 = arith.constant 0 : i32
    %dma_wait3A_48 = tpu.memref_slice %arg11[%add3A_18, %dma_wait3A_47] : memref<10240x128xf32, #tpu.memory_space<vmem_shared>> -> memref<128x128xf32, #tpu.memory_space<vmem_shared>>
    tpu.wait_dma2 semaphore(%arg12 : memref<!tpu.dma_semaphore, #tpu.memory_space<semaphore_mem>>) src(%arg9 : memref<128x128xf32, #tpu.memory_space<vmem>>) dst(%dma_wait3A_48 : memref<128x128xf32, #tpu.memory_space<vmem_shared>>)
    %dma_wait3A_49 = arith.constant 0 : i32
    %dma_wait3A_50 = tpu.memref_slice %arg11[%add3A_23, %dma_wait3A_49] : memref<10240x128xf32, #tpu.memory_space<vmem_shared>> -> memref<128x128xf32, #tpu.memory_space<vmem_shared>>
    %dma_wait3A_51 = arith.constant 0 : i32
    %dma_wait3A_52 = tpu.memref_slice %arg11[%add3A_23, %dma_wait3A_51] : memref<10240x128xf32, #tpu.memory_space<vmem_shared>> -> memref<128x128xf32, #tpu.memory_space<vmem_shared>>
    tpu.wait_dma2 semaphore(%arg12 : memref<!tpu.dma_semaphore, #tpu.memory_space<semaphore_mem>>) src(%arg9 : memref<128x128xf32, #tpu.memory_space<vmem>>) dst(%dma_wait3A_52 : memref<128x128xf32, #tpu.memory_space<vmem_shared>>)
    %dma_wait3A_53 = arith.constant 0 : i32
    %dma_wait3A_54 = tpu.memref_slice %arg11[%add3A_29, %dma_wait3A_53] : memref<10240x128xf32, #tpu.memory_space<vmem_shared>> -> memref<128x128xf32, #tpu.memory_space<vmem_shared>>
    %dma_wait3A_55 = arith.constant 0 : i32
    %dma_wait3A_56 = tpu.memref_slice %arg11[%add3A_29, %dma_wait3A_55] : memref<10240x128xf32, #tpu.memory_space<vmem_shared>> -> memref<128x128xf32, #tpu.memory_space<vmem_shared>>
    tpu.wait_dma2 semaphore(%arg12 : memref<!tpu.dma_semaphore, #tpu.memory_space<semaphore_mem>>) src(%arg9 : memref<128x128xf32, #tpu.memory_space<vmem>>) dst(%dma_wait3A_56 : memref<128x128xf32, #tpu.memory_space<vmem_shared>>)
    %dma_wait3A_57 = arith.constant 0 : i32
    %dma_wait3A_58 = tpu.memref_slice %arg11[%add3A_35, %dma_wait3A_57] : memref<10240x128xf32, #tpu.memory_space<vmem_shared>> -> memref<128x128xf32, #tpu.memory_space<vmem_shared>>
    %dma_wait3A_59 = arith.constant 0 : i32
    %dma_wait3A_60 = tpu.memref_slice %arg11[%add3A_35, %dma_wait3A_59] : memref<10240x128xf32, #tpu.memory_space<vmem_shared>> -> memref<128x128xf32, #tpu.memory_space<vmem_shared>>
    tpu.wait_dma2 semaphore(%arg12 : memref<!tpu.dma_semaphore, #tpu.memory_space<semaphore_mem>>) src(%arg9 : memref<128x128xf32, #tpu.memory_space<vmem>>) dst(%dma_wait3A_60 : memref<128x128xf32, #tpu.memory_space<vmem_shared>>)
    %dma_wait3A_61 = arith.constant 0 : i32
    %dma_wait3A_62 = tpu.memref_slice %arg11[%add3A_41, %dma_wait3A_61] : memref<10240x128xf32, #tpu.memory_space<vmem_shared>> -> memref<128x128xf32, #tpu.memory_space<vmem_shared>>
    %dma_wait3A_63 = arith.constant 0 : i32
    %dma_wait3A_64 = tpu.memref_slice %arg11[%add3A_41, %dma_wait3A_63] : memref<10240x128xf32, #tpu.memory_space<vmem_shared>> -> memref<128x128xf32, #tpu.memory_space<vmem_shared>>
    tpu.wait_dma2 semaphore(%arg12 : memref<!tpu.dma_semaphore, #tpu.memory_space<semaphore_mem>>) src(%arg9 : memref<128x128xf32, #tpu.memory_space<vmem>>) dst(%dma_wait3A_64 : memref<128x128xf32, #tpu.memory_space<vmem_shared>>)
    %barrier3A = arith.constant 0 : index
    tpu.barrier barrier_id(%barrier3A)
    %broadcast_in_dim3A_65 = arith.constant 1.000000e+00 : f32
    %broadcast_in_dim3A_66 = vector.broadcast %broadcast_in_dim3A_65 : f32 to vector<16xf32>
    %sub3A = arith.constant 2499 : i32
    %sub3A_67 = arith.subi %sub3A, %add3A : i32
    %jit3A = arith.constant 32 : i32
    %div3A = arith.divsi %sub3A_67, %jit3A : i32
    %sign3A = arith.constant 0 : i32
    %sign3A_68 = arith.cmpi sgt, %sub3A_67, %sign3A : i32
    %sign3A_69 = arith.extui %sign3A_68 : i1 to i32
    %sign3A_70 = arith.constant 0 : i32
    %sign3A_71 = arith.cmpi slt, %sub3A_67, %sign3A_70 : i32
    %sign3A_72 = arith.extui %sign3A_71 : i1 to i32
    %sign3A_73 = arith.subi %sign3A_69, %sign3A_72 : i32
    %sign3A_74 = arith.constant 0 : i32
    %sign3A_75 = arith.cmpi sgt, %jit3A, %sign3A_74 : i32
    %sign3A_76 = arith.extui %sign3A_75 : i1 to i32
    %sign3A_77 = arith.constant 0 : i32
    %sign3A_78 = arith.cmpi slt, %jit3A, %sign3A_77 : i32
    %sign3A_79 = arith.extui %sign3A_78 : i1 to i32
    %sign3A_80 = arith.subi %sign3A_76, %sign3A_79 : i32
    %ne3A = arith.cmpi ne, %sign3A_73, %sign3A_80 : i32
    %rem3A = arith.remsi %sub3A_67, %jit3A : i32
    %ne3A_81 = arith.constant 0 : i32
    %ne3A_82 = arith.cmpi ne, %rem3A, %ne3A_81 : i32
    %and3A = arith.andi %ne3A, %ne3A_82 : i1
    %sub3A_83 = arith.constant 1 : i32
    %sub3A_84 = arith.subi %div3A, %sub3A_83 : i32
    %select_n3A = arith.select %and3A, %sub3A_84, %div3A : i32
    %add3A_85 = arith.constant 1 : i32
    %add3A_86 = arith.addi %select_n3A, %add3A_85 : i32
    %while3A = arith.constant 0 : i32
    %while3A_87 = arith.constant 0 : i32
    %while3A_88 = arith.subi %add3A_86, %while3A : i32
    %while3A_89 = arith.addi %while3A, %while3A_88 : i32
    %while3A_90 = arith.constant 1 : i32
    %while3A_91 = arith.divsi %while3A_88, %while3A_90 : i32
    %while3A_92 = arith.muli %while3A_91, %while3A_90 : i32
    %while3A_93 = arith.addi %while3A, %while3A_92 : i32
    %while3A_94 = arith.constant 1 : i32
    %while3A_95 = scf.for %while3A_173 = %while3A to %while3A_93 step %while3A_94 iter_args(%while3A_174 = %while3A_87) -> (i32)  : i32 {
      %mul3A_175 = arith.constant 32 : i32
      %mul3A_176 = arith.muli %while3A_173, %mul3A_175 : i32
      %add3A_177 = arith.addi %add3A, %mul3A_176 : i32
      %mul3A_178 = arith.constant 256 : i32
      %mul3A_179 = arith.muli %add3A_177, %mul3A_178 : i32
      "tpu.region"() ({
        %run_scoped3A = tpu.sem_alloc : memref<!tpu.dma_semaphore, #tpu.memory_space<semaphore_mem>>
        %dma_start3A_221 = tpu.memref_slice %arg3[%mul3A_179] : memref<640000xi32, #tpu.memory_space<hbm>> -> memref<256xi32, #tpu.memory_space<hbm>>
        %dma_start3A_222 = tpu.memref_slice %arg3[%mul3A_179] : memref<640000xi32, #tpu.memory_space<hbm>> -> memref<256xi32, #tpu.memory_space<hbm>>
        tpu.enqueue_dma source(%dma_start3A_222 : memref<256xi32, #tpu.memory_space<hbm>>) target(%arg6 : memref<256xi32, #tpu.memory_space<vmem>>) target_semaphore(%run_scoped3A : memref<!tpu.dma_semaphore, #tpu.memory_space<semaphore_mem>>)
        %dma_wait3A_223 = tpu.memref_slice %arg3[%mul3A_179] : memref<640000xi32, #tpu.memory_space<hbm>> -> memref<256xi32, #tpu.memory_space<hbm>>
        %dma_wait3A_224 = tpu.memref_slice %arg3[%mul3A_179] : memref<640000xi32, #tpu.memory_space<hbm>> -> memref<256xi32, #tpu.memory_space<hbm>>
        tpu.wait_dma2 semaphore(%run_scoped3A : memref<!tpu.dma_semaphore, #tpu.memory_space<semaphore_mem>>) src(%dma_wait3A_224 : memref<256xi32, #tpu.memory_space<hbm>>) dst(%arg6 : memref<256xi32, #tpu.memory_space<vmem>>)
        tpu.yield
      }) : () -> ()
      %dma_start3A_180 = arith.constant 0 : i32
      %dma_start3A_181 = tpu.memref_slice %arg6[%dma_start3A_180] : memref<256xi32, #tpu.memory_space<vmem>> -> memref<128xi32, #tpu.memory_space<vmem>>
      %dma_start3A_182 = arith.constant 0 : i32
      %dma_start3A_183 = arith.constant 0 : i32
      %dma_start3A_184 = tpu.memref_slice %arg2[%dma_start3A_182, %dma_start3A_183] : memref<10000x128xf32, #tpu.memory_space<hbm>> -> memref<10000x128xf32, #tpu.memory_space<hbm>>
      tpu.enqueue_indirect_dma source(%dma_start3A_184 : memref<10000x128xf32, #tpu.memory_space<hbm>>) target(%arg8 : memref<128x128xf32, #tpu.memory_space<vmem>>) offsets(%dma_start3A_181 : memref<128xi32, #tpu.memory_space<vmem>>) semaphore(%arg12 : memref<!tpu.dma_semaphore, #tpu.memory_space<semaphore_mem>>)
      %get3A = arith.constant 128 : index
      %get3A_185 = tpu.vector_load %arg6[%get3A] {strides = array<i32>} : memref<256xi32, #tpu.memory_space<vmem>>, vector<16xi32>,
      %swap3A = arith.constant 0 : index
      %swap3A_186 = tpu.vector_load %arg7[%swap3A] {strides = array<i32>} : memref<128xi32, #tpu.memory_space<vmem>>, vector<16xi32>,
      tpu.vector_store %arg7[%swap3A], %get3A_185 {strides = array<i32>} : memref<128xi32, #tpu.memory_space<vmem>>, vector<16xi32>,
      tpu.vector_store_idx %arg10[%get3A_185], %broadcast_in_dim3A_66 {add = true} : memref<10000xf32, #tpu.memory_space<vmem>>[vector<16xi32>], vector<16xf32>,
      %get3A_187 = arith.constant 144 : index
      %get3A_188 = tpu.vector_load %arg6[%get3A_187] {strides = array<i32>} : memref<256xi32, #tpu.memory_space<vmem>>, vector<16xi32>,
      %swap3A_189 = arith.constant 16 : index
      %swap3A_190 = tpu.vector_load %arg7[%swap3A_189] {strides = array<i32>} : memref<128xi32, #tpu.memory_space<vmem>>, vector<16xi32>,
      tpu.vector_store %arg7[%swap3A_189], %get3A_188 {strides = array<i32>} : memref<128xi32, #tpu.memory_space<vmem>>, vector<16xi32>,
      tpu.vector_store_idx %arg10[%get3A_188], %broadcast_in_dim3A_66 {add = true} : memref<10000xf32, #tpu.memory_space<vmem>>[vector<16xi32>], vector<16xf32>,
      %get3A_191 = arith.constant 160 : index
      %get3A_192 = tpu.vector_load %arg6[%get3A_191] {strides = array<i32>} : memref<256xi32, #tpu.memory_space<vmem>>, vector<16xi32>,
      %swap3A_193 = arith.constant 32 : index
      %swap3A_194 = tpu.vector_load %arg7[%swap3A_193] {strides = array<i32>} : memref<128xi32, #tpu.memory_space<vmem>>, vector<16xi32>,
      tpu.vector_store %arg7[%swap3A_193], %get3A_192 {strides = array<i32>} : memref<128xi32, #tpu.memory_space<vmem>>, vector<16xi32>,
      tpu.vector_store_idx %arg10[%get3A_192], %broadcast_in_dim3A_66 {add = true} : memref<10000xf32, #tpu.memory_space<vmem>>[vector<16xi32>], vector<16xf32>,
      %get3A_195 = arith.constant 176 : index
      %get3A_196 = tpu.vector_load %arg6[%get3A_195] {strides = array<i32>} : memref<256xi32, #tpu.memory_space<vmem>>, vector<16xi32>,
      %swap3A_197 = arith.constant 48 : index
      %swap3A_198 = tpu.vector_load %arg7[%swap3A_197] {strides = array<i32>} : memref<128xi32, #tpu.memory_space<vmem>>, vector<16xi32>,
      tpu.vector_store %arg7[%swap3A_197], %get3A_196 {strides = array<i32>} : memref<128xi32, #tpu.memory_space<vmem>>, vector<16xi32>,
      tpu.vector_store_idx %arg10[%get3A_196], %broadcast_in_dim3A_66 {add = true} : memref<10000xf32, #tpu.memory_space<vmem>>[vector<16xi32>], vector<16xf32>,
      %get3A_199 = arith.constant 192 : index
      %get3A_200 = tpu.vector_load %arg6[%get3A_199] {strides = array<i32>} : memref<256xi32, #tpu.memory_space<vmem>>, vector<16xi32>,
      %swap3A_201 = arith.constant 64 : index
      %swap3A_202 = tpu.vector_load %arg7[%swap3A_201] {strides = array<i32>} : memref<128xi32, #tpu.memory_space<vmem>>, vector<16xi32>,
      tpu.vector_store %arg7[%swap3A_201], %get3A_200 {strides = array<i32>} : memref<128xi32, #tpu.memory_space<vmem>>, vector<16xi32>,
      tpu.vector_store_idx %arg10[%get3A_200], %broadcast_in_dim3A_66 {add = true} : memref<10000xf32, #tpu.memory_space<vmem>>[vector<16xi32>], vector<16xf32>,
      %get3A_203 = arith.constant 208 : index
      %get3A_204 = tpu.vector_load %arg6[%get3A_203] {strides = array<i32>} : memref<256xi32, #tpu.memory_space<vmem>>, vector<16xi32>,
      %swap3A_205 = arith.constant 80 : index
      %swap3A_206 = tpu.vector_load %arg7[%swap3A_205] {strides = array<i32>} : memref<128xi32, #tpu.memory_space<vmem>>, vector<16xi32>,
      tpu.vector_store %arg7[%swap3A_205], %get3A_204 {strides = array<i32>} : memref<128xi32, #tpu.memory_space<vmem>>, vector<16xi32>,
      tpu.vector_store_idx %arg10[%get3A_204], %broadcast_in_dim3A_66 {add = true} : memref<10000xf32, #tpu.memory_space<vmem>>[vector<16xi32>], vector<16xf32>,
      %get3A_207 = arith.constant 224 : index
      %get3A_208 = tpu.vector_load %arg6[%get3A_207] {strides = array<i32>} : memref<256xi32, #tpu.memory_space<vmem>>, vector<16xi32>,
      %swap3A_209 = arith.constant 96 : index
      %swap3A_210 = tpu.vector_load %arg7[%swap3A_209] {strides = array<i32>} : memref<128xi32, #tpu.memory_space<vmem>>, vector<16xi32>,
      tpu.vector_store %arg7[%swap3A_209], %get3A_208 {strides = array<i32>} : memref<128xi32, #tpu.memory_space<vmem>>, vector<16xi32>,
      tpu.vector_store_idx %arg10[%get3A_208], %broadcast_in_dim3A_66 {add = true} : memref<10000xf32, #tpu.memory_space<vmem>>[vector<16xi32>], vector<16xf32>,
      %get3A_211 = arith.constant 240 : index
      %get3A_212 = tpu.vector_load %arg6[%get3A_211] {strides = array<i32>} : memref<256xi32, #tpu.memory_space<vmem>>, vector<16xi32>,
      %swap3A_213 = arith.constant 112 : index
      %swap3A_214 = tpu.vector_load %arg7[%swap3A_213] {strides = array<i32>} : memref<128xi32, #tpu.memory_space<vmem>>, vector<16xi32>,
      tpu.vector_store %arg7[%swap3A_213], %get3A_212 {strides = array<i32>} : memref<128xi32, #tpu.memory_space<vmem>>, vector<16xi32>,
      tpu.vector_store_idx %arg10[%get3A_212], %broadcast_in_dim3A_66 {add = true} : memref<10000xf32, #tpu.memory_space<vmem>>[vector<16xi32>], vector<16xf32>,
      %dma_wait3A_215 = arith.constant 0 : i32
      %dma_wait3A_216 = tpu.memref_slice %arg6[%dma_wait3A_215] : memref<256xi32, #tpu.memory_space<vmem>> -> memref<128xi32, #tpu.memory_space<vmem>>
      %dma_wait3A_217 = arith.constant 0 : i32
      %dma_wait3A_218 = arith.constant 0 : i32
      %dma_wait3A_219 = tpu.memref_slice %arg2[%dma_wait3A_217, %dma_wait3A_218] : memref<10000x128xf32, #tpu.memory_space<hbm>> -> memref<10000x128xf32, #tpu.memory_space<hbm>>
      tpu.wait_indirect_dma semaphore(%arg12 : memref<!tpu.dma_semaphore, #tpu.memory_space<semaphore_mem>>) src(%dma_wait3A_219 : memref<10000x128xf32, #tpu.memory_space<hbm>>) dst(%arg8 : memref<128x128xf32, #tpu.memory_space<vmem>>)
      "tpu.region"() ({
        %run_scoped3A = tpu.sem_alloc : memref<!tpu.dma_semaphore, #tpu.memory_space<semaphore_mem>>
        %dma_start3A_221 = arith.constant 0 : i32
        %dma_start3A_222 = arith.constant 0 : i32
        %dma_start3A_223 = tpu.memref_slice %arg11[%dma_start3A_221, %dma_start3A_222] : memref<10240x128xf32, #tpu.memory_space<vmem_shared>> -> memref<10240x128xf32, #tpu.memory_space<vmem_shared>>
        tpu.enqueue_indirect_dma source(%arg8 : memref<128x128xf32, #tpu.memory_space<vmem>>) target(%dma_start3A_223 : memref<10240x128xf32, #tpu.memory_space<vmem_shared>>) offsets(%arg7 : memref<128xi32, #tpu.memory_space<vmem>>) semaphore(%run_scoped3A : memref<!tpu.dma_semaphore, #tpu.memory_space<semaphore_mem>>) {add = true}
        %dma_wait3A_224 = arith.constant 0 : i32
        %dma_wait3A_225 = arith.constant 0 : i32
        %dma_wait3A_226 = tpu.memref_slice %arg11[%dma_wait3A_224, %dma_wait3A_225] : memref<10240x128xf32, #tpu.memory_space<vmem_shared>> -> memref<10240x128xf32, #tpu.memory_space<vmem_shared>>
        tpu.wait_indirect_dma semaphore(%run_scoped3A : memref<!tpu.dma_semaphore, #tpu.memory_space<semaphore_mem>>) src(%arg8 : memref<128x128xf32, #tpu.memory_space<vmem>>) dst(%dma_wait3A_226 : memref<10240x128xf32, #tpu.memory_space<vmem_shared>>)
        tpu.yield
      }) : () -> ()
      %while3A_220 = arith.constant 0 : i32
      scf.yield %while3A_220 : i32
    }
    %while3A_96 = arith.constant 1 : i32
    %while3A_97 = scf.for %while3A_173 = %while3A_93 to %while3A_89 step %while3A_96 iter_args(%while3A_174 = %while3A_95) -> (i32)  : i32 {
      %mul3A_175 = arith.constant 32 : i32
      %mul3A_176 = arith.muli %while3A_173, %mul3A_175 : i32
      %add3A_177 = arith.addi %add3A, %mul3A_176 : i32
      %mul3A_178 = arith.constant 256 : i32
      %mul3A_179 = arith.muli %add3A_177, %mul3A_178 : i32
      "tpu.region"() ({
        %run_scoped3A = tpu.sem_alloc : memref<!tpu.dma_semaphore, #tpu.memory_space<semaphore_mem>>
        %dma_start3A_221 = tpu.memref_slice %arg3[%mul3A_179] : memref<640000xi32, #tpu.memory_space<hbm>> -> memref<256xi32, #tpu.memory_space<hbm>>
        %dma_start3A_222 = tpu.memref_slice %arg3[%mul3A_179] : memref<640000xi32, #tpu.memory_space<hbm>> -> memref<256xi32, #tpu.memory_space<hbm>>
        tpu.enqueue_dma source(%dma_start3A_222 : memref<256xi32, #tpu.memory_space<hbm>>) target(%arg6 : memref<256xi32, #tpu.memory_space<vmem>>) target_semaphore(%run_scoped3A : memref<!tpu.dma_semaphore, #tpu.memory_space<semaphore_mem>>)
        %dma_wait3A_223 = tpu.memref_slice %arg3[%mul3A_179] : memref<640000xi32, #tpu.memory_space<hbm>> -> memref<256xi32, #tpu.memory_space<hbm>>
        %dma_wait3A_224 = tpu.memref_slice %arg3[%mul3A_179] : memref<640000xi32, #tpu.memory_space<hbm>> -> memref<256xi32, #tpu.memory_space<hbm>>
        tpu.wait_dma2 semaphore(%run_scoped3A : memref<!tpu.dma_semaphore, #tpu.memory_space<semaphore_mem>>) src(%dma_wait3A_224 : memref<256xi32, #tpu.memory_space<hbm>>) dst(%arg6 : memref<256xi32, #tpu.memory_space<vmem>>)
        tpu.yield
      }) : () -> ()
      %dma_start3A_180 = arith.constant 0 : i32
      %dma_start3A_181 = tpu.memref_slice %arg6[%dma_start3A_180] : memref<256xi32, #tpu.memory_space<vmem>> -> memref<128xi32, #tpu.memory_space<vmem>>
      %dma_start3A_182 = arith.constant 0 : i32
      %dma_start3A_183 = arith.constant 0 : i32
      %dma_start3A_184 = tpu.memref_slice %arg2[%dma_start3A_182, %dma_start3A_183] : memref<10000x128xf32, #tpu.memory_space<hbm>> -> memref<10000x128xf32, #tpu.memory_space<hbm>>
      tpu.enqueue_indirect_dma source(%dma_start3A_184 : memref<10000x128xf32, #tpu.memory_space<hbm>>) target(%arg8 : memref<128x128xf32, #tpu.memory_space<vmem>>) offsets(%dma_start3A_181 : memref<128xi32, #tpu.memory_space<vmem>>) semaphore(%arg12 : memref<!tpu.dma_semaphore, #tpu.memory_space<semaphore_mem>>)
      %get3A = arith.constant 128 : index
      %get3A_185 = tpu.vector_load %arg6[%get3A] {strides = array<i32>} : memref<256xi32, #tpu.memory_space<vmem>>, vector<16xi32>,
      %swap3A = arith.constant 0 : index
      %swap3A_186 = tpu.vector_load %arg7[%swap3A] {strides = array<i32>} : memref<128xi32, #tpu.memory_space<vmem>>, vector<16xi32>,
      tpu.vector_store %arg7[%swap3A], %get3A_185 {strides = array<i32>} : memref<128xi32, #tpu.memory_space<vmem>>, vector<16xi32>,
      tpu.vector_store_idx %arg10[%get3A_185], %broadcast_in_dim3A_66 {add = true} : memref<10000xf32, #tpu.memory_space<vmem>>[vector<16xi32>], vector<16xf32>,
      %get3A_187 = arith.constant 144 : index
      %get3A_188 = tpu.vector_load %arg6[%get3A_187] {strides = array<i32>} : memref<256xi32, #tpu.memory_space<vmem>>, vector<16xi32>,
      %swap3A_189 = arith.constant 16 : index
      %swap3A_190 = tpu.vector_load %arg7[%swap3A_189] {strides = array<i32>} : memref<128xi32, #tpu.memory_space<vmem>>, vector<16xi32>,
      tpu.vector_store %arg7[%swap3A_189], %get3A_188 {strides = array<i32>} : memref<128xi32, #tpu.memory_space<vmem>>, vector<16xi32>,
      tpu.vector_store_idx %arg10[%get3A_188], %broadcast_in_dim3A_66 {add = true} : memref<10000xf32, #tpu.memory_space<vmem>>[vector<16xi32>], vector<16xf32>,
      %get3A_191 = arith.constant 160 : index
      %get3A_192 = tpu.vector_load %arg6[%get3A_191] {strides = array<i32>} : memref<256xi32, #tpu.memory_space<vmem>>, vector<16xi32>,
      %swap3A_193 = arith.constant 32 : index
      %swap3A_194 = tpu.vector_load %arg7[%swap3A_193] {strides = array<i32>} : memref<128xi32, #tpu.memory_space<vmem>>, vector<16xi32>,
      tpu.vector_store %arg7[%swap3A_193], %get3A_192 {strides = array<i32>} : memref<128xi32, #tpu.memory_space<vmem>>, vector<16xi32>,
      tpu.vector_store_idx %arg10[%get3A_192], %broadcast_in_dim3A_66 {add = true} : memref<10000xf32, #tpu.memory_space<vmem>>[vector<16xi32>], vector<16xf32>,
      %get3A_195 = arith.constant 176 : index
      %get3A_196 = tpu.vector_load %arg6[%get3A_195] {strides = array<i32>} : memref<256xi32, #tpu.memory_space<vmem>>, vector<16xi32>,
      %swap3A_197 = arith.constant 48 : index
      %swap3A_198 = tpu.vector_load %arg7[%swap3A_197] {strides = array<i32>} : memref<128xi32, #tpu.memory_space<vmem>>, vector<16xi32>,
      tpu.vector_store %arg7[%swap3A_197], %get3A_196 {strides = array<i32>} : memref<128xi32, #tpu.memory_space<vmem>>, vector<16xi32>,
      tpu.vector_store_idx %arg10[%get3A_196], %broadcast_in_dim3A_66 {add = true} : memref<10000xf32, #tpu.memory_space<vmem>>[vector<16xi32>], vector<16xf32>,
      %get3A_199 = arith.constant 192 : index
      %get3A_200 = tpu.vector_load %arg6[%get3A_199] {strides = array<i32>} : memref<256xi32, #tpu.memory_space<vmem>>, vector<16xi32>,
      %swap3A_201 = arith.constant 64 : index
      %swap3A_202 = tpu.vector_load %arg7[%swap3A_201] {strides = array<i32>} : memref<128xi32, #tpu.memory_space<vmem>>, vector<16xi32>,
      tpu.vector_store %arg7[%swap3A_201], %get3A_200 {strides = array<i32>} : memref<128xi32, #tpu.memory_space<vmem>>, vector<16xi32>,
      tpu.vector_store_idx %arg10[%get3A_200], %broadcast_in_dim3A_66 {add = true} : memref<10000xf32, #tpu.memory_space<vmem>>[vector<16xi32>], vector<16xf32>,
      %get3A_203 = arith.constant 208 : index
      %get3A_204 = tpu.vector_load %arg6[%get3A_203] {strides = array<i32>} : memref<256xi32, #tpu.memory_space<vmem>>, vector<16xi32>,
      %swap3A_205 = arith.constant 80 : index
      %swap3A_206 = tpu.vector_load %arg7[%swap3A_205] {strides = array<i32>} : memref<128xi32, #tpu.memory_space<vmem>>, vector<16xi32>,
      tpu.vector_store %arg7[%swap3A_205], %get3A_204 {strides = array<i32>} : memref<128xi32, #tpu.memory_space<vmem>>, vector<16xi32>,
      tpu.vector_store_idx %arg10[%get3A_204], %broadcast_in_dim3A_66 {add = true} : memref<10000xf32, #tpu.memory_space<vmem>>[vector<16xi32>], vector<16xf32>,
      %get3A_207 = arith.constant 224 : index
      %get3A_208 = tpu.vector_load %arg6[%get3A_207] {strides = array<i32>} : memref<256xi32, #tpu.memory_space<vmem>>, vector<16xi32>,
      %swap3A_209 = arith.constant 96 : index
      %swap3A_210 = tpu.vector_load %arg7[%swap3A_209] {strides = array<i32>} : memref<128xi32, #tpu.memory_space<vmem>>, vector<16xi32>,
      tpu.vector_store %arg7[%swap3A_209], %get3A_208 {strides = array<i32>} : memref<128xi32, #tpu.memory_space<vmem>>, vector<16xi32>,
      tpu.vector_store_idx %arg10[%get3A_208], %broadcast_in_dim3A_66 {add = true} : memref<10000xf32, #tpu.memory_space<vmem>>[vector<16xi32>], vector<16xf32>,
      %get3A_211 = arith.constant 240 : index
      %get3A_212 = tpu.vector_load %arg6[%get3A_211] {strides = array<i32>} : memref<256xi32, #tpu.memory_space<vmem>>, vector<16xi32>,
      %swap3A_213 = arith.constant 112 : index
      %swap3A_214 = tpu.vector_load %arg7[%swap3A_213] {strides = array<i32>} : memref<128xi32, #tpu.memory_space<vmem>>, vector<16xi32>,
      tpu.vector_store %arg7[%swap3A_213], %get3A_212 {strides = array<i32>} : memref<128xi32, #tpu.memory_space<vmem>>, vector<16xi32>,
      tpu.vector_store_idx %arg10[%get3A_212], %broadcast_in_dim3A_66 {add = true} : memref<10000xf32, #tpu.memory_space<vmem>>[vector<16xi32>], vector<16xf32>,
      %dma_wait3A_215 = arith.constant 0 : i32
      %dma_wait3A_216 = tpu.memref_slice %arg6[%dma_wait3A_215] : memref<256xi32, #tpu.memory_space<vmem>> -> memref<128xi32, #tpu.memory_space<vmem>>
      %dma_wait3A_217 = arith.constant 0 : i32
      %dma_wait3A_218 = arith.constant 0 : i32
      %dma_wait3A_219 = tpu.memref_slice %arg2[%dma_wait3A_217, %dma_wait3A_218] : memref<10000x128xf32, #tpu.memory_space<hbm>> -> memref<10000x128xf32, #tpu.memory_space<hbm>>
      tpu.wait_indirect_dma semaphore(%arg12 : memref<!tpu.dma_semaphore, #tpu.memory_space<semaphore_mem>>) src(%dma_wait3A_219 : memref<10000x128xf32, #tpu.memory_space<hbm>>) dst(%arg8 : memref<128x128xf32, #tpu.memory_space<vmem>>)
      "tpu.region"() ({
        %run_scoped3A = tpu.sem_alloc : memref<!tpu.dma_semaphore, #tpu.memory_space<semaphore_mem>>
        %dma_start3A_221 = arith.constant 0 : i32
        %dma_start3A_222 = arith.constant 0 : i32
        %dma_start3A_223 = tpu.memref_slice %arg11[%dma_start3A_221, %dma_start3A_222] : memref<10240x128xf32, #tpu.memory_space<vmem_shared>> -> memref<10240x128xf32, #tpu.memory_space<vmem_shared>>
        tpu.enqueue_indirect_dma source(%arg8 : memref<128x128xf32, #tpu.memory_space<vmem>>) target(%dma_start3A_223 : memref<10240x128xf32, #tpu.memory_space<vmem_shared>>) offsets(%arg7 : memref<128xi32, #tpu.memory_space<vmem>>) semaphore(%run_scoped3A : memref<!tpu.dma_semaphore, #tpu.memory_space<semaphore_mem>>) {add = true}
        %dma_wait3A_224 = arith.constant 0 : i32
        %dma_wait3A_225 = arith.constant 0 : i32
        %dma_wait3A_226 = tpu.memref_slice %arg11[%dma_wait3A_224, %dma_wait3A_225] : memref<10240x128xf32, #tpu.memory_space<vmem_shared>> -> memref<10240x128xf32, #tpu.memory_space<vmem_shared>>
        tpu.wait_indirect_dma semaphore(%run_scoped3A : memref<!tpu.dma_semaphore, #tpu.memory_space<semaphore_mem>>) src(%arg8 : memref<128x128xf32, #tpu.memory_space<vmem>>) dst(%dma_wait3A_226 : memref<10240x128xf32, #tpu.memory_space<vmem_shared>>)
        tpu.yield
      }) : () -> ()
      %while3A_220 = arith.constant 0 : i32
      scf.yield %while3A_220 : i32
    }
    %barrier3A_98 = arith.constant 0 : index
    tpu.barrier barrier_id(%barrier3A_98)
    %dma_start3A_99 = arith.constant 0 : i32
    %dma_start3A_100 = arith.constant 0 : i32
    %dma_start3A_101 = tpu.memref_slice %arg5[%add3A, %dma_start3A_99, %dma_start3A_100] : memref<32x1x10000xf32, #tpu.memory_space<hbm>> -> memref<1x1x10000xf32, #tpu.memory_space<hbm>>
    %dma_start3A_102 = tpu.memref_squeeze %dma_start3A_101 : memref<1x1x10000xf32, #tpu.memory_space<hbm>> -> memref<10000xf32, #tpu.memory_space<hbm>>
    %dma_start3A_103 = arith.constant 0 : i32
    %dma_start3A_104 = tpu.memref_slice %arg5[%add3A, %dma_start3A_99, %dma_start3A_103] : memref<32x1x10000xf32, #tpu.memory_space<hbm>> -> memref<1x1x10000xf32, #tpu.memory_space<hbm>>
    %dma_start3A_105 = tpu.memref_squeeze %dma_start3A_104 : memref<1x1x10000xf32, #tpu.memory_space<hbm>> -> memref<10000xf32, #tpu.memory_space<hbm>>
    tpu.enqueue_dma source(%arg10 : memref<10000xf32, #tpu.memory_space<vmem>>) target(%dma_start3A_105 : memref<10000xf32, #tpu.memory_space<hbm>>) target_semaphore(%arg12 : memref<!tpu.dma_semaphore, #tpu.memory_space<semaphore_mem>>)
    %add3A_106 = arith.constant 0 : i32
    %add3A_107 = arith.addi %mul3A_16, %add3A_106 : i32
    %dma_start3A_108 = arith.constant 0 : i32
    %dma_start3A_109 = tpu.memref_slice %arg4[%arg0, %add3A_107, %dma_start3A_108] : memref<2x10240x128xf32, #tpu.memory_space<hbm>> -> memref<1x128x128xf32, #tpu.memory_space<hbm>>
    %dma_start3A_110 = tpu.memref_squeeze %dma_start3A_109 : memref<1x128x128xf32, #tpu.memory_space<hbm>> -> memref<128x128xf32, #tpu.memory_space<hbm>>
    %dma_start3A_111 = arith.constant 0 : i32
    %dma_start3A_112 = tpu.memref_slice %arg11[%add3A_107, %dma_start3A_111] : memref<10240x128xf32, #tpu.memory_space<vmem_shared>> -> memref<128x128xf32, #tpu.memory_space<vmem_shared>>
    tpu.enqueue_dma source(%dma_start3A_112 : memref<128x128xf32, #tpu.memory_space<vmem_shared>>) target(%dma_start3A_110 : memref<128x128xf32, #tpu.memory_space<hbm>>) target_semaphore(%arg12 : memref<!tpu.dma_semaphore, #tpu.memory_space<semaphore_mem>>)
    %add3A_113 = arith.constant 128 : i32
    %add3A_114 = arith.addi %mul3A_16, %add3A_113 : i32
    %dma_start3A_115 = arith.constant 0 : i32
    %dma_start3A_116 = tpu.memref_slice %arg4[%arg0, %add3A_114, %dma_start3A_115] : memref<2x10240x128xf32, #tpu.memory_space<hbm>> -> memref<1x128x128xf32, #tpu.memory_space<hbm>>
    %dma_start3A_117 = tpu.memref_squeeze %dma_start3A_116 : memref<1x128x128xf32, #tpu.memory_space<hbm>> -> memref<128x128xf32, #tpu.memory_space<hbm>>
    %dma_start3A_118 = arith.constant 0 : i32
    %dma_start3A_119 = tpu.memref_slice %arg11[%add3A_114, %dma_start3A_118] : memref<10240x128xf32, #tpu.memory_space<vmem_shared>> -> memref<128x128xf32, #tpu.memory_space<vmem_shared>>
    tpu.enqueue_dma source(%dma_start3A_119 : memref<128x128xf32, #tpu.memory_space<vmem_shared>>) target(%dma_start3A_117 : memref<128x128xf32, #tpu.memory_space<hbm>>) target_semaphore(%arg12 : memref<!tpu.dma_semaphore, #tpu.memory_space<semaphore_mem>>)
    %add3A_120 = arith.constant 256 : i32
    %add3A_121 = arith.addi %mul3A_16, %add3A_120 : i32
    %dma_start3A_122 = arith.constant 0 : i32
    %dma_start3A_123 = tpu.memref_slice %arg4[%arg0, %add3A_121, %dma_start3A_122] : memref<2x10240x128xf32, #tpu.memory_space<hbm>> -> memref<1x128x128xf32, #tpu.memory_space<hbm>>
    %dma_start3A_124 = tpu.memref_squeeze %dma_start3A_123 : memref<1x128x128xf32, #tpu.memory_space<hbm>> -> memref<128x128xf32, #tpu.memory_space<hbm>>
    %dma_start3A_125 = arith.constant 0 : i32
    %dma_start3A_126 = tpu.memref_slice %arg11[%add3A_121, %dma_start3A_125] : memref<10240x128xf32, #tpu.memory_space<vmem_shared>> -> memref<128x128xf32, #tpu.memory_space<vmem_shared>>
    tpu.enqueue_dma source(%dma_start3A_126 : memref<128x128xf32, #tpu.memory_space<vmem_shared>>) target(%dma_start3A_124 : memref<128x128xf32, #tpu.memory_space<hbm>>) target_semaphore(%arg12 : memref<!tpu.dma_semaphore, #tpu.memory_space<semaphore_mem>>)
    %add3A_127 = arith.constant 384 : i32
    %add3A_128 = arith.addi %mul3A_16, %add3A_127 : i32
    %dma_start3A_129 = arith.constant 0 : i32
    %dma_start3A_130 = tpu.memref_slice %arg4[%arg0, %add3A_128, %dma_start3A_129] : memref<2x10240x128xf32, #tpu.memory_space<hbm>> -> memref<1x128x128xf32, #tpu.memory_space<hbm>>
    %dma_start3A_131 = tpu.memref_squeeze %dma_start3A_130 : memref<1x128x128xf32, #tpu.memory_space<hbm>> -> memref<128x128xf32, #tpu.memory_space<hbm>>
    %dma_start3A_132 = arith.constant 0 : i32
    %dma_start3A_133 = tpu.memref_slice %arg11[%add3A_128, %dma_start3A_132] : memref<10240x128xf32, #tpu.memory_space<vmem_shared>> -> memref<128x128xf32, #tpu.memory_space<vmem_shared>>
    tpu.enqueue_dma source(%dma_start3A_133 : memref<128x128xf32, #tpu.memory_space<vmem_shared>>) target(%dma_start3A_131 : memref<128x128xf32, #tpu.memory_space<hbm>>) target_semaphore(%arg12 : memref<!tpu.dma_semaphore, #tpu.memory_space<semaphore_mem>>)
    %add3A_134 = arith.constant 512 : i32
    %add3A_135 = arith.addi %mul3A_16, %add3A_134 : i32
    %dma_start3A_136 = arith.constant 0 : i32
    %dma_start3A_137 = tpu.memref_slice %arg4[%arg0, %add3A_135, %dma_start3A_136] : memref<2x10240x128xf32, #tpu.memory_space<hbm>> -> memref<1x128x128xf32, #tpu.memory_space<hbm>>
    %dma_start3A_138 = tpu.memref_squeeze %dma_start3A_137 : memref<1x128x128xf32, #tpu.memory_space<hbm>> -> memref<128x128xf32, #tpu.memory_space<hbm>>
    %dma_start3A_139 = arith.constant 0 : i32
    %dma_start3A_140 = tpu.memref_slice %arg11[%add3A_135, %dma_start3A_139] : memref<10240x128xf32, #tpu.memory_space<vmem_shared>> -> memref<128x128xf32, #tpu.memory_space<vmem_shared>>
    tpu.enqueue_dma source(%dma_start3A_140 : memref<128x128xf32, #tpu.memory_space<vmem_shared>>) target(%dma_start3A_138 : memref<128x128xf32, #tpu.memory_space<hbm>>) target_semaphore(%arg12 : memref<!tpu.dma_semaphore, #tpu.memory_space<semaphore_mem>>)
    %dma_wait3A_141 = arith.constant 0 : i32
    %dma_wait3A_142 = arith.constant 0 : i32
    %dma_wait3A_143 = tpu.memref_slice %arg5[%add3A, %dma_wait3A_141, %dma_wait3A_142] : memref<32x1x10000xf32, #tpu.memory_space<hbm>> -> memref<1x1x10000xf32, #tpu.memory_space<hbm>>
    %dma_wait3A_144 = tpu.memref_squeeze %dma_wait3A_143 : memref<1x1x10000xf32, #tpu.memory_space<hbm>> -> memref<10000xf32, #tpu.memory_space<hbm>>
    %dma_wait3A_145 = arith.constant 0 : i32
    %dma_wait3A_146 = tpu.memref_slice %arg5[%add3A, %dma_wait3A_141, %dma_wait3A_145] : memref<32x1x10000xf32, #tpu.memory_space<hbm>> -> memref<1x1x10000xf32, #tpu.memory_space<hbm>>
    %dma_wait3A_147 = tpu.memref_squeeze %dma_wait3A_146 : memref<1x1x10000xf32, #tpu.memory_space<hbm>> -> memref<10000xf32, #tpu.memory_space<hbm>>
    tpu.wait_dma2 semaphore(%arg12 : memref<!tpu.dma_semaphore, #tpu.memory_space<semaphore_mem>>) src(%arg10 : memref<10000xf32, #tpu.memory_space<vmem>>) dst(%dma_wait3A_147 : memref<10000xf32, #tpu.memory_space<hbm>>)
    %dma_wait3A_148 = arith.constant 0 : i32
    %dma_wait3A_149 = tpu.memref_slice %arg4[%arg0, %add3A_107, %dma_wait3A_148] : memref<2x10240x128xf32, #tpu.memory_space<hbm>> -> memref<1x128x128xf32, #tpu.memory_space<hbm>>
    %dma_wait3A_150 = tpu.memref_squeeze %dma_wait3A_149 : memref<1x128x128xf32, #tpu.memory_space<hbm>> -> memref<128x128xf32, #tpu.memory_space<hbm>>
    %dma_wait3A_151 = arith.constant 0 : i32
    %dma_wait3A_152 = tpu.memref_slice %arg11[%add3A_107, %dma_wait3A_151] : memref<10240x128xf32, #tpu.memory_space<vmem_shared>> -> memref<128x128xf32, #tpu.memory_space<vmem_shared>>
    tpu.wait_dma2 semaphore(%arg12 : memref<!tpu.dma_semaphore, #tpu.memory_space<semaphore_mem>>) src(%dma_wait3A_152 : memref<128x128xf32, #tpu.memory_space<vmem_shared>>) dst(%dma_wait3A_150 : memref<128x128xf32, #tpu.memory_space<hbm>>)
    %dma_wait3A_153 = arith.constant 0 : i32
    %dma_wait3A_154 = tpu.memref_slice %arg4[%arg0, %add3A_114, %dma_wait3A_153] : memref<2x10240x128xf32, #tpu.memory_space<hbm>> -> memref<1x128x128xf32, #tpu.memory_space<hbm>>
    %dma_wait3A_155 = tpu.memref_squeeze %dma_wait3A_154 : memref<1x128x128xf32, #tpu.memory_space<hbm>> -> memref<128x128xf32, #tpu.memory_space<hbm>>
    %dma_wait3A_156 = arith.constant 0 : i32
    %dma_wait3A_157 = tpu.memref_slice %arg11[%add3A_114, %dma_wait3A_156] : memref<10240x128xf32, #tpu.memory_space<vmem_shared>> -> memref<128x128xf32, #tpu.memory_space<vmem_shared>>
    tpu.wait_dma2 semaphore(%arg12 : memref<!tpu.dma_semaphore, #tpu.memory_space<semaphore_mem>>) src(%dma_wait3A_157 : memref<128x128xf32, #tpu.memory_space<vmem_shared>>) dst(%dma_wait3A_155 : memref<128x128xf32, #tpu.memory_space<hbm>>)
    %dma_wait3A_158 = arith.constant 0 : i32
    %dma_wait3A_159 = tpu.memref_slice %arg4[%arg0, %add3A_121, %dma_wait3A_158] : memref<2x10240x128xf32, #tpu.memory_space<hbm>> -> memref<1x128x128xf32, #tpu.memory_space<hbm>>
    %dma_wait3A_160 = tpu.memref_squeeze %dma_wait3A_159 : memref<1x128x128xf32, #tpu.memory_space<hbm>> -> memref<128x128xf32, #tpu.memory_space<hbm>>
    %dma_wait3A_161 = arith.constant 0 : i32
    %dma_wait3A_162 = tpu.memref_slice %arg11[%add3A_121, %dma_wait3A_161] : memref<10240x128xf32, #tpu.memory_space<vmem_shared>> -> memref<128x128xf32, #tpu.memory_space<vmem_shared>>
    tpu.wait_dma2 semaphore(%arg12 : memref<!tpu.dma_semaphore, #tpu.memory_space<semaphore_mem>>) src(%dma_wait3A_162 : memref<128x128xf32, #tpu.memory_space<vmem_shared>>) dst(%dma_wait3A_160 : memref<128x128xf32, #tpu.memory_space<hbm>>)
    %dma_wait3A_163 = arith.constant 0 : i32
    %dma_wait3A_164 = tpu.memref_slice %arg4[%arg0, %add3A_128, %dma_wait3A_163] : memref<2x10240x128xf32, #tpu.memory_space<hbm>> -> memref<1x128x128xf32, #tpu.memory_space<hbm>>
    %dma_wait3A_165 = tpu.memref_squeeze %dma_wait3A_164 : memref<1x128x128xf32, #tpu.memory_space<hbm>> -> memref<128x128xf32, #tpu.memory_space<hbm>>
    %dma_wait3A_166 = arith.constant 0 : i32
    %dma_wait3A_167 = tpu.memref_slice %arg11[%add3A_128, %dma_wait3A_166] : memref<10240x128xf32, #tpu.memory_space<vmem_shared>> -> memref<128x128xf32, #tpu.memory_space<vmem_shared>>
    tpu.wait_dma2 semaphore(%arg12 : memref<!tpu.dma_semaphore, #tpu.memory_space<semaphore_mem>>) src(%dma_wait3A_167 : memref<128x128xf32, #tpu.memory_space<vmem_shared>>) dst(%dma_wait3A_165 : memref<128x128xf32, #tpu.memory_space<hbm>>)
    %dma_wait3A_168 = arith.constant 0 : i32
    %dma_wait3A_169 = tpu.memref_slice %arg4[%arg0, %add3A_135, %dma_wait3A_168] : memref<2x10240x128xf32, #tpu.memory_space<hbm>> -> memref<1x128x128xf32, #tpu.memory_space<hbm>>
    %dma_wait3A_170 = tpu.memref_squeeze %dma_wait3A_169 : memref<1x128x128xf32, #tpu.memory_space<hbm>> -> memref<128x128xf32, #tpu.memory_space<hbm>>
    %dma_wait3A_171 = arith.constant 0 : i32
    %dma_wait3A_172 = tpu.memref_slice %arg11[%add3A_135, %dma_wait3A_171] : memref<10240x128xf32, #tpu.memory_space<vmem_shared>> -> memref<128x128xf32, #tpu.memory_space<vmem_shared>>
    tpu.wait_dma2 semaphore(%arg12 : memref<!tpu.dma_semaphore, #tpu.memory_space<semaphore_mem>>) src(%dma_wait3A_172 : memref<128x128xf32, #tpu.memory_space<vmem_shared>>) dst(%dma_wait3A_170 : memref<128x128xf32, #tpu.memory_space<hbm>>)
    return
  }
}

</mosaic_0001>

<sc_bundles>
// kernel: _sc_aggregate.3.cloned.1.call-start
scs
__scs_entry_jumppad:
0x0: {  	(pc) =	sbr.rel $0x88, $3  }
0x1: {  	(tag) =	ssettag $0x0;
	lr =	simm.s32 $0x1  }
0x2: {  	[smem:$0x3F9F] =	sst lr;
	_ =	strace $0xD0000000  }
0x3: {  	_ = 	snop  }
0x4: {  	_ = 	snop  }
0x5: {  	_ = 	snop  }
0x6: {  	_ = 	snop  }
0x7: {  	_ = 	snop  }
__scs_overlays_trampoline_lowered:
0x8: {  	[smem:$0x3FAE] =	sst s0  }
0x9: {  	[smem:$0x3FAF] =	sst s1  }
0xa: {  	[smem:$0x3FB0] =	sst s2  }
0xb: {  	[smem:$0x3FB1] =	sst s3  }
0xc: {  	[smem:$0x3FB2] =	sst s4  }
0xd: {  	[smem:$0x3FB3] =	sst s5  }
0xe: {  	[smem:$0x3FB4] =	sst s6  }
0xf: {  	[smem:$0x3FB5] =	sst s7  }
0x10: {  	[smem:$0x3FB6] =	sst s8  }
0x11: {  	[smem:$0x3FB7] =	sst s9;
	s0 =	simm.s32 @!p0 $0x0  }
0x12: {  	s1 =	sld [smem:$0x3F9D];
	s0 =	simm.s32 @p0 $0x1  }
0x13: {  	[smem:$0x3FB8] =	sst s0;
	s0 =	simm.s32 @!p1 $0x0  }
0x14: {  	s2 =	sld [smem:$0x3F9C];
	s0 =	simm.s32 @p1 $0x1  }
0x15: {  	[smem:$0x3FB9] =	sst s0;
	s0 =	simm.s32 @!p2 $0x0  }
0x16: {  	s3 =	sld [smem:$0x3FDB];
	s0 =	simm.s32 @p2 $0x1  }
0x17: {  	s4 =	simm.s32 $0x1BF5;
	[smem:$0x3FBB] =	sst s0  }
0x18: {  	s0 =	sld [smem:$0x3F9E];
	_ =	swait.ge [sflag:s4], $0x0  }
0x19: {  	s7 =	sld [smem:$0x3F9F]  }
0x1a: {  	s8 =	sadd.s32 $0xFFFFE003, lr  }
0x1b: {  	s9 =	sadd.s32 $0xFFFFFEF7, lr;
	s5 =	simm.s32 $0xFFFFFFFF;
	p2 =	slt.u32 s8, $0xFFFFF086  }
0x1c: {  	p1 =	slt.u32 s9, $0xF7A;
	s5 =	simm.s32 @!p2 $0x0  }
0x1d: {  	s5 =	simm.s32 @p1 $0x1;
	p0 =	seq.s32 s7, s2  }
0x1e: {  	s7 =	smul.u32 @!p0 $0xF7A, s2;
	p2 =	seq.s32 @!p0 s5, $0x0  }
0x1f: {  	s9 =	smul.u32 $0xF7A, s1;
	s8 =	simm.s32 @!p0 $0x1BF5;
	p2 =	por !p2, p0  }
0x20: {  	[sflag:s8] =	ssyncset.s32 @!p0 $0xFFFFF086;
	s6 =	sadd.s32 @!p0 s3, s7;
	s7 =	simm.s32 @!p0 $0x108  }
0x21: {  	s3 =	sadd.s32 s3, s9;
	s6 =	sadd.s32 @!p0 $0x88, s6;
	s7 =	simm.s32 @p2 $0x1082  }
0x22: {  	[simem:s7], [sflag:s8] =	dma.local @!p0 [hbm:s6], $0xF7A  }
0x23: {  	s9 =	sor.u32 $0xD0000000, s2;
	s6 =	simm.s32 $0x108;
	_ =	swait.ge @!p0 [sflag:s8], $0x0  }
0x24: {  	s3 =	sadd.s32 $0x88, s3;
	s6 =	simm.s32 @!p1 $0x1082;
	[sflag:s4] =	ssyncset.s32 $0xFFFFF086  }
0x25: {  	[simem:s6], [sflag:s4] =	dma.local [hbm:s3], $0xF7A  }
0x26: {  	[smem:$0x3F9F] =	sst s1;
	(tag) =	ssettag s2;
	_ =	strace s9  }
0x27: {  	s1 =	sld [smem:$0x3FAF]  }
0x28: {  	s2 =	sld [smem:$0x3FB0]  }
0x29: {  	s4 =	sld [smem:$0x3FB2]  }
0x2a: {  	p0 =	seq.s32 s5, $0x0;
	s5 =	sld [smem:$0x3FB3]  }
0x2b: {  	s6 =	sld [smem:$0x3FB4]  }
0x2c: {  	s7 =	sld [smem:$0x3FB5]  }
0x2d: {  	s3 =	simm.s32 $0x108;
	s8 =	sld [smem:$0x3FB6]  }
0x2e: {  	s3 =	simm.s32 @!p0 $0x1082;
	s9 =	sld [smem:$0x3FB7]  }
0x2f: {  	lr =	sadd.s32 s0, s3;
	s0 =	sld [smem:$0x3FAE]  }
0x30: {  	s3 =	sld [smem:$0x3FB1]  }
0x31: {  	[smem:$0x3FBA] =	sst s10  }
0x32: {  	s10 =	sld [smem:$0x3FB8];
	_ =	sdelay $0x3  }
0x33: {  	p0 =	seq.s32 s10, $0x1;
	s10 =	sld [smem:$0x3FBA];
	_ =	sdelay $0x3  }
0x34: {  	[smem:$0x3FBA] =	sst s10  }
0x35: {  	s10 =	sld [smem:$0x3FB9];
	_ =	sdelay $0x3  }
0x36: {  	p1 =	seq.s32 s10, $0x1;
	s10 =	sld [smem:$0x3FBA];
	_ =	sdelay $0x3  }
0x37: {  	[smem:$0x3FBA] =	sst s10  }
0x38: {  	s10 =	sld [smem:$0x3FBB]  }
0x39: {  	_ = 	snop;
	(pc) =	sbr.ind lr, $3  }
0x3a: {  	_ = 	snop  }
0x3b: {  	_ = 	snop  }
0x3c: {  	p2 =	seq.s32 s10, $0x1;
	s10 =	sld [smem:$0x3FBA]  }
0x3d: {  	_ =	shalt  }
0x3e: {  	_ =	shalt  }
0x3f: {  	_ =	shalt  }
0x40: {  	_ =	shalt  }
0x41: {  	_ =	shalt  }
0x42: {  	_ =	shalt  }
0x43: {  	_ =	shalt  }
0x44: {  	_ =	shalt  }
0x45: {  	_ =	shalt  }
0x46: {  	_ =	shalt  }
0x47: {  	_ =	shalt  }
0x48: {  	_ =	shalt  }
0x49: {  	_ =	shalt  }
0x4a: {  	_ =	shalt  }
0x4b: {  	_ =	shalt  }
0x4c: {  	_ =	shalt  }
0x4d: {  	_ =	shalt  }
0x4e: {  	_ =	shalt  }
0x4f: {  	_ =	shalt  }
0x50: {  	_ =	shalt  }
0x51: {  	_ =	shalt  }
0x52: {  	_ =	shalt  }
0x53: {  	_ =	shalt  }
0x54: {  	_ =	shalt  }
0x55: {  	_ =	shalt  }
0x56: {  	_ =	shalt  }
0x57: {  	_ =	shalt  }
0x58: {  	_ =	shalt  }
0x59: {  	_ =	shalt  }
0x5a: {  	_ =	shalt  }
0x5b: {  	_ =	shalt  }
0x5c: {  	_ =	shalt  }
0x5d: {  	_ =	shalt  }
0x5e: {  	_ =	shalt  }
0x5f: {  	_ =	shalt  }
0x60: {  	_ =	shalt  }
0x61: {  	_ =	shalt  }
0x62: {  	_ =	shalt  }
0x63: {  	_ =	shalt  }
0x64: {  	_ =	shalt  }
0x65: {  	_ =	shalt  }
0x66: {  	_ =	shalt  }
0x67: {  	_ =	shalt  }
0x68: {  	_ =	shalt  }
0x69: {  	_ =	shalt  }
0x6a: {  	_ =	shalt  }
0x6b: {  	_ =	shalt  }
0x6c: {  	_ =	shalt  }
0x6d: {  	_ =	shalt  }
0x6e: {  	_ =	shalt  }
0x6f: {  	_ =	shalt  }
0x70: {  	_ =	shalt  }
0x71: {  	_ =	shalt  }
0x72: {  	_ =	shalt  }
0x73: {  	_ =	shalt  }
0x74: {  	_ =	shalt  }
0x75: {  	_ =	shalt  }
0x76: {  	_ =	shalt  }
0x77: {  	_ =	shalt  }
0x78: {  	_ =	shalt  }
0x79: {  	_ =	shalt  }
0x7a: {  	_ =	shalt  }
0x7b: {  	_ =	shalt  }
0x7c: {  	_ =	shalt  }
0x7d: {  	_ =	shalt  }
0x7e: {  	_ =	shalt  }
0x7f: {  	_ =	shalt  }
0x80: {  	_ =	shalt  }
0x81: {  	_ =	shalt  }
0x82: {  	_ =	shalt  }
0x83: {  	_ =	shalt  }
0x84: {  	_ =	shalt  }
0x85: {  	_ =	shalt  }
0x86: {  	_ =	shalt  }
0x87: {  	_ =	shalt  }
.Lfunc_end0:
.L_simem_size_0:
called_computation_lowered:
.L_overlay_start_0:
0x88: {  	s2 =	sld [smem:$0x3FD9]  }
0x89: {  	s3 =	sld [smem:$0x3FFE];
	_ =	sdelay $0x1  }
0x8a: {  	s1 =	srdreg.scid  }
0x8b: {  	s0 =	sand.u32 $0x1, s1  }
0x8c: {  	s15 =	sshll.u32 s0, $0xA;
	s2 =	sadd.s32 s3, s2  }
0x8d: {  	s2 =	sadd.s32 s2, s15  }
0x8e: {  	[smem:$0x3FC6] =	sst s2  }
0x8f: {  	_ = 	snop  }
0x90: {  	s2 =	sld [smem:$0x3FD0];
	_ =	sdelay $0x1  }
0x91: {  	s16 =	sld [smem:$0x3FC9]  }
0x92: {  	s5 =	simm.s32 $0xA;
	s6 =	simm.s32 $0x10;
	s4 =	sld [smem:$0x3FC8]  }
0x93: {  	[smem:s6], [sflag:s5] =	dma.local [hbm:s2], $0x1  }
0x94: {  	_ =	swait.eq [sflag:s5], $0x1  }
0x95: {  	[sflag:s5] =	ssyncset.done $0x0  }
0x96: {  	s17 =	sld [smem:$0x10];
	[sflag:s5] =	ssyncadd.s32 $0xFFFFFFFF  }
0x97: {  	s18 =	sld [smem:$0x11];
	(tm) =	ssettm $0x1  }
0x98: {  	s19 =	sld [smem:$0x3FFB];
	_ =	sdelay $0x3  }
0x99: {  	_ =	strace s19  }
0x9a: {  	s6 =	sld [smem:$0x3FFC];
	_ =	sdelay $0x3  }
0x9b: {  	_ =	strace s6  }
0x9c: {  	s6 =	sld [smem:$0x3FFD];
	_ =	sdelay $0x3  }
0x9d: {  	_ =	strace s6  }
0x9e: {  	_ =	strace $0x8FFFFFFF  }
0x9f: {  	s20 =	sld [smem:$0x3FDB];
	_ =	sdelay $0x1  }
0xa0: {  	s7 =	simm.s32 $_scs_section_size  }
0xa1: {  	s8 =	simm.s32 $_size__tile_overlayer_lowered;
	s9 =	simm.s32 $_tile_overlayer_lowered  }
0xa2: {  	s23 =	simm.s32 $0x1BFF;
	s22 =	sshll.u32 s9, $0x1;
	s6 =	sadd.s32 s7, s20  }
0xa3: {  	s10 =	simm.s32 $0x0;
	s21 =	sshll.u32 s8, $0x1;
	s8 =	sadd.s32 s22, s6  }
0xa4: {  	[timem:s10], [sflag:s23] =	dma.local [hbm:s8], s21  }
0xa5: {  	_ =	swait.ge [sflag:s23], s21  }
0xa6: {  	s7 =	ssub.s32 $0x0, s21;
	[sflag:s23] =	ssyncset.done $0x0  }
0xa7: {  	[sflag:s23] =	ssyncadd.s32 s7;
	_ =	sdelay $0x1  }
0xa8: {  	s24 =	simm.s32 $0x1B8B  }
0xa9: {  	_ =	swait.ge [sflag:s24], $0x1  }
0xaa: {  	[sflag:s24] =	ssyncset.done $0x0  }
0xab: {  	s25 =	simm.s32 $0x1B8E;
	[sflag:s24] =	ssyncadd.s32 $0xFFFFFFFF  }
0xac: {  	s26 =	simm.s32 $execute0_lowered;
	[smem:$0x3FD2] =	sst s25  }
0xad: {  	s7 =	sshll.u32 s26, $0x1;
	_ =	strace $0x80000046;
	[dreg:$0x1] =	wrdreg $0xFFFFFFFF  }
0xae: {  	s28 =	simm.s32 $_size_execute0_lowered;
	s6 =	sadd.s32 s6, s7;
	[dreg:$0x0] =	wrdreg $0x0  }
0xaf: {  	s7 =	sshll.u32 s28, $0x1;
	[dreg:$0x2] =	wrdreg s6  }
0xb0: {  	[dreg:$0x3] =	wrdreg s7  }
0xb1: {  	[dreg:$0x4] =	wrdreg $0xC0  }
0xb2: {  	_ =	task [dreg:s10], $0x5FFFF  }
0xb3: {  	[dreg:$0x1] =	wrdreg $0xFFFFFFFF  }
0xb4: {  	[dreg:$0x0] =	wrdreg $0x60  }
0xb5: {  	[dreg:$0x2] =	wrdreg s16  }
0xb6: {  	[dreg:$0x3] =	wrdreg s4  }
0xb7: {  	[dreg:$0x4] =	wrdreg s17  }
0xb8: {  	[dreg:$0x5] =	wrdreg s18  }
0xb9: {  	[dreg:$0x6] =	wrdreg $0xA9000  }
0xba: {  	[dreg:$0x7] =	wrdreg $0x9  }
0xbb: {  	_ =	task.clear_ibuf [dreg:s10], $0x8FFFF;
	_ =	strace $0x90000046  }
0xbc: {  	s29 =	simm.s32 $0x9;
	_ =	strace $0x80000048  }
0xbd: {  	_ =	swait.ge [sflag:s29], $0x1  }
0xbe: {  	[sflag:s29] =	ssyncadd.s32 $0xFFFFFFFF  }
0xbf: {  	_ =	strace $0x90000048  }
0xc0: {  	_ =	sfence  }
0xc1: {  	s30 =	sld [smem:$0x0];
	_ =	sdelay $0x2  }
0xc2: {  	s31 =	sshll.u32 s1, $0xD;
	s1 =	sshrl.u32 s1, $0x2  }
0xc3: {  	s3 =	sand.u32 $0x4000, s31;
	s1 =	sadd.s32 s1, s30  }
0xc4: {  	s0 =	sor.u32 s3, s0;
	s1 =	sshll.u32 s1, $0x11  }
0xc5: {  	s0 =	sor.u32 s1, s0  }
0xc6: {  	s0 =	sadd.s32 $0x8F2B, s0  }
0xc7: {  	[sflag:s0] =	ssyncadd.remote.s32 $0x1  }
0xc8: {  	_ =	sfence.sel $0xFFFF  }
0xc9: {  	[dreg:$0x0] =	wrdreg $0xFFFFFFFF;
	(pc) =	sbr.abs _section_cstart, $3  }
0xca: {  	[dreg:$0x1] =	wrdreg $0xFFFFFFFF  }
0xcb: {  	_ =	task.clear_ibuf [dreg:s10], $0x2FFFF;
	_ =	strace $0x9FFFFFFF  }
0xcc: {  	(tm) =	ssettm $0x7FFFFFFF  }
0xcd: {  	_ =	shalt  }
tec
execute0_lowered:
.L_overlay_start_1:
0x0: {  	(tag) =	ssettag $0x1  }
0x1: {  	s1 =	rddreg [dreg:$0x0]  }
0x2: {  	s2 =	rddreg [dreg:$0x1]  }
0x3: {  	s16 =	rddreg [dreg:$0x2]  }
0x4: {  	s11 =	rddreg [dreg:$0x3]  }
0x5: {  	s3 =	rddreg [dreg:$0x4]  }
0x6: {  	s0 =	rddreg [dreg:$0x5];
	s5 =	simm.s32 $0x0;
	s6 =	srdreg.scid  }
0x7: {  	s4 =	stileid.u32;
	s23 =	simm.s32 $0x80;
	s24 =	simm.s32 $0x180  }
0x8: {  	s25 =	simm.s32 $0x8180;
	s26 =	simm.s32 $0x100;
	s28 =	simm.s32 $0x0  }
0x9: {  	[smem:$0x7FF] =	sst s5;
	s19 =	sand.u32 $0x1, s6;
	s7 =	smul.u32 $0x50000, s4  }
0xa: {  	s9 =	sshll.u32 s4, $0x1;
	s12 =	smul.u32 $0x14000, s4;
	s31 =	sshll.u32 s4, $0x9  }
0xb: {  	_ =	strace $0x80000047;
	s6 =	ssub.s32 $0x2, s19;
	s18 =	sor.u32 s19, s9  }
0xc: {  	s15 =	smul.u32 $0x140000, s19;
	s19 =	sshll.u32 s19, $0x8;
	s8 =	sshrl.u32 s6, $0x1  }
0xd: {  	s29 =	sshrl.u32 s7, $0x2;
	s13 =	sadd.s32 $0x4000, s12;
	s14 =	sadd.s32 $0x8000, s12  }
0xe: {  	s20 =	sadd.s32 $0xC000, s12;
	s21 =	sadd.s32 $0x10000, s12;
	s22 =	smul.u32 $0x4F0, s18  }
0xf: {  	s18 =	ssub.s32 $0x9C3, s18;
	s19 =	sor.u32 s19, s31;
	s17 =	ssub.s32 s6, s8  }
0x10: {  	s6 =	sadd.s32 s29, s3;
	s7 =	sadd.s32 s13, s3;
	s8 =	sadd.s32 s14, s3  }
0x11: {  	s9 =	sadd.s32 s20, s3;
	s10 =	sadd.s32 s21, s3;
	s12 =	sadd.s32 s12, s15  }
0x12: {  	s13 =	sadd.s32 s15, s13;
	s14 =	sadd.s32 s15, s14;
	s20 =	sadd.s32 s15, s20  }
0x13: {  	s21 =	sadd.s32 s15, s21;
	s18 =	sshrl.u32 s18, $0x5;
	s11 =	sadd.s32 s11, s22  }
0x14: {  	s12 =	sshrl.u32 s12, $0x3;
	s13 =	sshrl.u32 s13, $0x3;
	s14 =	sshrl.u32 s14, $0x3  }
0x15: {  	s20 =	sshrl.u32 s20, $0x3;
	s30 =	sshrl.u32 s21, $0x3;
	s17 =	smax.u32 s17, $0x1  }
0x16: {  	s18 =	sxor.u32 $0xFFFFFFFF, s18;
	s21 =	simm.s32 $0x1;
	s22 =	simm.s32 $0x2  }
0x17: {  	s12 =	sadd.s32 s16, s12;
	s13 =	sadd.s32 s16, s13;
	s14 =	sadd.s32 s16, s14  }
0x18: {  	v0 =	vimm.f32 $0.0e+00;
	v1 =	vimm.f32 $1.000000000e+00;
	s15 =	sadd.s32 s16, s20;
	s16 =	sadd.s32 s16, s30;
	s20 =	simm.s32 $0x4180  }
.LBB2_1:
0x19: {  	s29 =	simm.s32 $0x0  }
.LBB2_2:
0x1a: {  	p0 =	sne.s32 s29, $0x9C00  }
.Ltmp0:
0x1b: {  	_ = 	snop;
	(pc) =	sbr.rel @p0 .LBB2_2-.Ltmp0, $3  }
0x1c: {  	_ =	sdelay $0x1  }
0x1d: {  	s30 =	sshra.s32 s29, $0x2  }
0x1e: {  	s29 =	sadd.s32 $0x40, s29;
	[tilespmem:s30+$0x8180] =	vst v0  }
0x1f: {  	s29 =	simm.s32 $0x0;
	s30 =	simm.s32 $0x200  }
.LBB2_4:
0x20: {  	p0 =	sne.s32 s30, $0xFE00;
	[tilespmem:s29+$0x41F0] =	vst v0  }
0x21: {  	[tilespmem:s29+$0x4180] =	vst v0  }
0x22: {  	[tilespmem:s29+$0x4190] =	vst v0  }
.Ltmp1:
0x23: {  	[tilespmem:s29+$0x41A0] =	vst v0;
	(pc) =	sbr.rel @p0 .LBB2_4-.Ltmp1, $4  }
0x24: {  	[tilespmem:s29+$0x41B0] =	vst v0  }
0x25: {  	[tilespmem:s29+$0x41C0] =	vst v0  }
0x26: {  	[tilespmem:s29+$0x41D0] =	vst v0  }
0x27: {  	[tilespmem:s29+$0x41E0] =	vst v0;
	s29 =	sshra.s32 s30, $0x2;
	s30 =	sadd.s32 $0x200, s30  }
0x28: {  	[tilespmem:s29+$0x41F0] =	vst v0  }
0x29: {  	[tilespmem:s29+$0x4180] =	vst v0  }
0x2a: {  	[tilespmem:s29+$0x4190] =	vst v0  }
0x2b: {  	[tilespmem:s29+$0x41A0] =	vst v0  }
0x2c: {  	[tilespmem:s29+$0x41B0] =	vst v0  }
0x2d: {  	[tilespmem:s29+$0x41C0] =	vst v0  }
0x2e: {  	[tilespmem:s29+$0x41D0] =	vst v0  }
0x2f: {  	[tilespmem:s29+$0x41E0] =	vst v0  }
0x30: {  	[spmem:s6] =	stream.linear.scatter [tilespmem:s20], [sflag:$0x1], $0x4000, $0x38;
	[tilespmem:$0x1E900] =	vst v63  }
0x31: {  	_ = 	snop  }
0x32: {  	[spmem:s7] =	stream.linear.scatter [tilespmem:s20], [sflag:$0x1], $0x4000, $0x38;
	[tilespmem:$0x1E900] =	vst v63  }
0x33: {  	_ = 	snop  }
0x34: {  	[spmem:s8] =	stream.linear.scatter [tilespmem:s20], [sflag:$0x1], $0x4000, $0x38;
	[tilespmem:$0x1E900] =	vst v63  }
0x35: {  	_ = 	snop  }
0x36: {  	[spmem:s9] =	stream.linear.scatter [tilespmem:s20], [sflag:$0x1], $0x4000, $0x38;
	[tilespmem:$0x1E900] =	vst v63  }
0x37: {  	_ = 	snop  }
0x38: {  	[spmem:s10] =	stream.linear.scatter [tilespmem:s20], [sflag:$0x1], $0x4000, $0x38;
	[tilespmem:$0x1E900] =	vst v63  }
0x39: {  	_ =	swait.ge [sflag:s21], $0x4000  }
0x3a: {  	[sflag:s21] =	ssyncset.done $0x0  }
0x3b: {  	[sflag:s21] =	ssyncadd.s32 $0xFFFFC000  }
0x3c: {  	_ =	swait.ge [sflag:s21], $0x4000  }
0x3d: {  	[sflag:s21] =	ssyncset.done $0x0  }
0x3e: {  	[sflag:s21] =	ssyncadd.s32 $0xFFFFC000  }
0x3f: {  	_ =	swait.ge [sflag:s21], $0x4000  }
0x40: {  	[sflag:s21] =	ssyncset.done $0x0  }
0x41: {  	[sflag:s21] =	ssyncadd.s32 $0xFFFFC000  }
0x42: {  	_ =	swait.ge [sflag:s21], $0x4000  }
0x43: {  	[sflag:s21] =	ssyncset.done $0x0  }
0x44: {  	[sflag:s21] =	ssyncadd.s32 $0xFFFFC000  }
0x45: {  	_ =	swait.ge [sflag:s21], $0x4000  }
0x46: {  	[sflag:s21] =	ssyncset.done $0x0  }
0x47: {  	[sflag:s21] =	ssyncadd.s32 $0xFFFFC000  }
0x48: {  	s29 =	smov.u32 s19;
	s30 =	smov.u32 s18;
	[bflag:$0x0] =	sbarrier.arrive $0xFFFF  }
.LBB2_6:
0x49: {  	s31 =	sshrl.u32 s29, $0x3  }
0x4a: {  	s31 =	sadd.s32 s2, s31  }
0x4b: {  	[tilespmem:s5], [sflag:$0x2] =	stream.linear.gather [hbm4b:s31+s5], $0x100, $0x38;
	[tilespmem:$0x1E900] =	vst v63  }
0x4c: {  	_ =	swait.ge [sflag:s22], $0x100  }
0x4d: {  	[sflag:s22] =	ssyncset.done $0x0  }
0x4e: {  	[sflag:s22] =	ssyncadd.s32 $0xFFFFFF00  }
0x4f: {  	[tilespmem:s24], [sflag:$0x1] =	stream.indirect.gather [hbm4b:s1+s23], $0x80, s5, s23, $0xb8;
	[tilespmem:$0x1E900] =	vst v63  }
0x50: {  	v2 =	vld [tilespmem:$0x80];
	_ =	sdelay $0x6  }
0x51: {  	[tilespmem:$0x100] =	vst v2  }
0x52: {  	[tilespmem:v2+s25+$0x0] =	vst.idx.add.f32.msk $0xffff, v1  }
0x53: {  	v2 =	vld [tilespmem:$0x90];
	_ =	sdelay $0x6  }
0x54: {  	[tilespmem:$0x110] =	vst v2  }
0x55: {  	[tilespmem:v2+s25+$0x0] =	vst.idx.add.f32.msk $0xffff, v1  }
0x56: {  	v2 =	vld [tilespmem:$0xA0];
	_ =	sdelay $0x6  }
0x57: {  	[tilespmem:$0x120] =	vst v2  }
0x58: {  	[tilespmem:v2+s25+$0x0] =	vst.idx.add.f32.msk $0xffff, v1  }
0x59: {  	v2 =	vld [tilespmem:$0xB0];
	_ =	sdelay $0x6  }
0x5a: {  	[tilespmem:$0x130] =	vst v2  }
0x5b: {  	[tilespmem:v2+s25+$0x0] =	vst.idx.add.f32.msk $0xffff, v1  }
0x5c: {  	v2 =	vld [tilespmem:$0xC0];
	_ =	sdelay $0x6  }
0x5d: {  	[tilespmem:$0x140] =	vst v2  }
0x5e: {  	[tilespmem:v2+s25+$0x0] =	vst.idx.add.f32.msk $0xffff, v1  }
0x5f: {  	v2 =	vld [tilespmem:$0xD0];
	_ =	sdelay $0x6  }
0x60: {  	[tilespmem:$0x150] =	vst v2  }
0x61: {  	[tilespmem:v2+s25+$0x0] =	vst.idx.add.f32.msk $0xffff, v1  }
0x62: {  	v2 =	vld [tilespmem:$0xE0];
	_ =	sdelay $0x6  }
0x63: {  	[tilespmem:$0x160] =	vst v2  }
0x64: {  	[tilespmem:v2+s25+$0x0] =	vst.idx.add.f32.msk $0xffff, v1  }
0x65: {  	v2 =	vld [tilespmem:$0xF0];
	_ =	sdelay $0x6  }
0x66: {  	[tilespmem:$0x170] =	vst v2  }
0x67: {  	[tilespmem:v2+s25+$0x0] =	vst.idx.add.f32.msk $0xffff, v1  }
0x68: {  	s30 =	sadd.s32 $0x1, s30;
	_ =	swait.ge [sflag:s21], $0x4000  }
0x69: {  	p0 =	seq.s32 s30, $0x0;
	[sflag:s21] =	ssyncset.done $0x0  }
.Ltmp2:
0x6a: {  	[sflag:s21] =	ssyncadd.s32 $0xFFFFC000;
	(pc) =	sbr.rel @!p0 .LBB2_6-.Ltmp2, $4  }
0x6b: {  	[spmem:s3] =	stream.indirect.scatter.add.f32 [tilespmem:s24], [sflag:$0x2], $0x80, s26, s23, $0xb8;
	[tilespmem:$0x1E900] =	vst v63  }
0x6c: {  	_ =	swait.ge [sflag:s22], $0x4000  }
0x6d: {  	[sflag:s22] =	ssyncset.done $0x0  }
0x6e: {  	s29 =	sadd.s32 $0x2000, s29;
	[sflag:s22] =	ssyncadd.s32 $0xFFFFC000  }
0x6f: {  	[bflag:$0x0] =	sbarrier.arrive $0xFFFF;
	s29 =	sshll.u32 s4, $0x6  }
0x70: {  	[hbm4b:s11+s5] =	stream.linear.scatter [tilespmem:s25], [sflag:$0x1], $0x2780, $0x38;
	[tilespmem:$0x1E900] =	vst v63  }
0x71: {  	s30 =	sshrl.u32 s6, $0x3;
	s31 =	sshrl.u32 s7, $0x3;
	s29 =	sor.u32 $0x1C01, s29  }
0x72: {  	[hbm:s12], [sflag:s29] =	dma.local [spmem:s30], $0x800  }
0x73: {  	[hbm:s13], [sflag:s29] =	dma.local [spmem:s31], $0x800  }
0x74: {  	s31 =	sshrl.u32 s8, $0x3  }
0x75: {  	[hbm:s14], [sflag:s29] =	dma.local [spmem:s31], $0x800  }
0x76: {  	s31 =	sshrl.u32 s9, $0x3  }
0x77: {  	[hbm:s15], [sflag:s29] =	dma.local [spmem:s31], $0x800  }
0x78: {  	s31 =	sshrl.u32 s10, $0x3  }
0x79: {  	[hbm:s16], [sflag:s29] =	dma.local [spmem:s31], $0x800  }
0x7a: {  	_ =	swait.ge [sflag:s21], $0x2780  }
0x7b: {  	[sflag:s21] =	ssyncset.done $0x0  }
0x7c: {  	[sflag:s21] =	ssyncadd.s32 $0xFFFFD880  }
0x7d: {  	_ =	swait.ge [sflag:s21], $0x800  }
0x7e: {  	[sflag:s21] =	ssyncset.done $0x0  }
0x7f: {  	[sflag:s21] =	ssyncadd.s32 $0xFFFFF800  }
0x80: {  	_ =	swait.ge [sflag:s21], $0x800  }
0x81: {  	[sflag:s21] =	ssyncset.done $0x0  }
0x82: {  	[sflag:s21] =	ssyncadd.s32 $0xFFFFF800  }
0x83: {  	_ =	swait.ge [sflag:s21], $0x800  }
0x84: {  	[sflag:s21] =	ssyncset.done $0x0  }
0x85: {  	s28 =	sadd.s32 $0x1, s28;
	[sflag:s21] =	ssyncadd.s32 $0xFFFFF800  }
0x86: {  	p0 =	sne.s32 s28, s17;
	_ =	swait.ge [sflag:s21], $0x800  }
.Ltmp3:
0x87: {  	[sflag:s21] =	ssyncset.done $0x0;
	(pc) =	sbr.rel @p0 .LBB2_1-.Ltmp3, $4  }
0x88: {  	[sflag:s21] =	ssyncadd.s32 $0xFFFFF800  }
0x89: {  	_ =	swait.ge [sflag:s21], $0x800  }
0x8a: {  	[sflag:s21] =	ssyncset.done $0x0  }
0x8b: {  	[sflag:s21] =	ssyncadd.s32 $0xFFFFF800  }
0x8c: {  	_ =	sfence.sel $0x180000  }
0x8d: {  	[bflag:$0x0] =	sbarrier.arrive $0xFFFF  }
0x8e: {  	p0 =	sne.s32 s4, $0x0;
	_ =	strace $0x90000047  }
0x8f: {  	s0 =	sadd.s32 @!p0 $0x100000, s0;
	[bflag:$0x2] =	sbarrier.arrive $0xFFFF  }
0x90: {  	[sflag:s0] =	ssyncadd.tile.s32 @!p0 $0x1;
	_ =	shalt  }
.Lfunc_end2:
_tile_overlayer_lowered:
.L_overlay_start_2:
0x91: {  	(tag) =	ssettag $0x2  }
0x92: {  	s0 =	rddreg [dreg:$0x0];
	s2 =	stileid.u32  }
0x93: {  	s1 =	rddreg [dreg:$0x1];
	p0 =	sne.s32 s2, $0x0  }
0x94: {  	s3 =	rddreg [dreg:$0x2];
	[bflag:$0x3] =	sbarrier.arrive $0xFFFF;
	s2 =	simm.s32 @!p0 $0x1C02  }
0x95: {  	[timem:s3], [sflag:s2] =	dma.local @!p0 [hbm:s0], s1  }
0x96: {  	s0 =	simm.s32 @!p0 $0x2  }
0x97: {  	_ =	swait.ge @!p0 [sflag:s0], s1  }
0x98: {  	s1 =	ssub.s32 @!p0 $0x0, s1;
	[sflag:s0] =	ssyncset.done @!p0 $0x0  }
0x99: {  	[sflag:s0] =	ssyncadd.s32 @!p0 s1  }
0x9a: {  	[bflag:$0x3] =	sbarrier.arrive $0xFFFF  }
0x9b: {  	_ =	shalt  }

</sc_bundles>
